<compile_context>
chip_gen: v7x
topology: tpu7x:2x2x1
jax: 0.10.2.dev20260603
libtpu: 0.0.44.dev20260713+nightly
codegen_flags: <defaults>
</compile_context>

<pallas_src>
import functools

import jax
import jax.numpy as jnp
from jax import lax
from jax.experimental import pallas as pl
from jax.experimental.pallas import tpu as pltpu
from jax.experimental.pallas import tpu_sc as plsc

E_DIM = 64
N_CODES = 1024
N_TOK = 16 * 576
TOK_BLOCK = 1152
ROWS_BLOCK = TOK_BLOCK // 576
SUB = 9
SUB_TOK = TOK_BLOCK // SUB

SC_CORES = 2
SC_SUBCORES = 16
SC_WORKERS = SC_CORES * SC_SUBCORES
TOK_PER_WORKER = N_TOK // SC_WORKERS
IDX_CHUNK = 96
N_CHUNKS = TOK_PER_WORKER // IDX_CHUNK


def _argmin_body(x_ref, e_ref, idx_ref, acc_ref):
    eb = e_ref[...]
    en = eb * -2.0
    e2 = jnp.sum(eb * eb, axis=0, keepdims=True)
    base = pl.program_id(0) * TOK_BLOCK
    xall = x_ref[...].reshape(TOK_BLOCK, E_DIM)
    total = jnp.float32(0.0)
    for c in range(SUB):
        xb = xall[c * SUB_TOK:(c + 1) * SUB_TOK]
        s = jnp.dot(xb, en, preferred_element_type=jnp.float32)
        x2 = jnp.sum(xb * xb, axis=1, keepdims=True)
        d = x2 + s + e2
        m = jnp.min(d, axis=1, keepdims=True)
        ii = lax.broadcasted_iota(jnp.int32, d.shape, 1).astype(jnp.float32)
        idxf = jnp.min(jnp.where(d == m, ii, jnp.float32(N_CODES)), axis=1)
        idx_ref[pl.ds(base + c * SUB_TOK, SUB_TOK)] = idxf.astype(jnp.int32)
        total = total + jnp.sum(m)

    @pl.when(pl.program_id(0) == 0)
    def _():
        acc_ref[0, 0] = jnp.float32(0.0)

    acc_ref[0, 0] += total

    @pl.when(pl.program_id(0) == pl.num_programs(0) - 1)
    def _():
        acc_ref[0, 0] = acc_ref[0, 0] * jnp.float32(1.0 / (N_TOK * E_DIM))


def _tc_argmin(x, e_i_ts, interpret=False):
    grid = (N_TOK // TOK_BLOCK,)
    return pl.pallas_call(
        _argmin_body,
        grid=grid,
        in_specs=[
            pl.BlockSpec((ROWS_BLOCK, 576, E_DIM), lambda i: (i, 0, 0)),
            pl.BlockSpec((E_DIM, N_CODES), lambda i: (0, 0)),
        ],
        out_specs=[
            pl.BlockSpec((N_TOK,), lambda i: (0,)),
            pl.BlockSpec((1, 1), lambda i: (0, 0), memory_space=pltpu.SMEM),
        ],
        out_shape=[
            jax.ShapeDtypeStruct((N_TOK,), jnp.int32),
            jax.ShapeDtypeStruct((1, 1), jnp.float32),
        ],
        interpret=interpret,
    )(x, e_i_ts)


def _sc_gather(table, idx):
    mesh = plsc.VectorSubcoreMesh(core_axis_name="c", subcore_axis_name="s")

    @functools.partial(
        pl.kernel,
        mesh=mesh,
        out_type=jax.ShapeDtypeStruct((16, 576, E_DIM), jnp.float32),
        scratch_types=[
            pltpu.VMEM((TOK_PER_WORKER,), jnp.int32),
            pltpu.VMEM((TOK_PER_WORKER, E_DIM), jnp.float32),
            pltpu.SemaphoreType.DMA,
            pltpu.SemaphoreType.DMA,
        ],
        compiler_params=pltpu.CompilerParams(use_tc_tiling_on_sc=False),
    )
    def gather_kernel(table_hbm, idx_hbm, out_hbm, idx_v, rows_v, sem, wsem):
        wid = lax.axis_index("s") * SC_CORES + lax.axis_index("c")
        b = wid // 2
        off = (wid % 2) * TOK_PER_WORKER
        pltpu.sync_copy(idx_hbm.at[pl.ds(wid * TOK_PER_WORKER, TOK_PER_WORKER)], idx_v)
        gathers = [
            pltpu.async_copy(
                table_hbm.at[idx_v.at[pl.ds(j * IDX_CHUNK, IDX_CHUNK)]],
                rows_v.at[pl.ds(j * IDX_CHUNK, IDX_CHUNK)],
                sem,
            )
            for j in range(N_CHUNKS)
        ]
        writes = []
        for j in range(N_CHUNKS):
            gathers[j].wait()
            writes.append(
                pltpu.async_copy(
                    rows_v.at[pl.ds(j * IDX_CHUNK, IDX_CHUNK)],
                    out_hbm.at[b, pl.ds(off + j * IDX_CHUNK, IDX_CHUNK)],
                    wsem,
                )
            )
        for w in writes:
            w.wait()

    return gather_kernel(table, idx)


def kernel(x, e_i_ts):
    B, L, E = x.shape
    idx, acc = _tc_argmin(x, e_i_ts)
    table = e_i_ts.T
    quantized = _sc_gather(table, idx)
    loss = acc.reshape(())
    encoding_indices = idx.reshape(B, L)
    return (quantized, loss, loss, encoding_indices)

# --- scband reference (transcript-rebuilt; emitter-appended) ---
"""Pipeline reference for scband-vector-quantizer-62612033241626 (READ-ONLY COPY).

The authoritative reference and input builder live on the scoring server;
editing this copy changes nothing except your own understanding.
"""

import jax, jax.numpy as jnp
import numpy as np

EMBEDDING_DIM = 64
NUM_EMBEDDINGS = 1024

def setup_inputs(seed: int = 0) -> dict:
    key = jax.random.key(seed)
    k_x, k_e = jax.random.split(key)
    x = jax.random.normal(k_x, (16, 576, EMBEDDING_DIM), dtype=jnp.float32)
    limit = 3 ** 0.5
    e_i_ts = jax.random.uniform(k_e, (EMBEDDING_DIM, NUM_EMBEDDINGS), dtype=jnp.float32, minval=-limit, maxval=limit)
    return {"x": x, "e_i_ts": e_i_ts}

def reference(x, e_i_ts):
    B, L, E = x.shape
    flat_x = x.reshape(B * L, E)
    distances = (jnp.sum(flat_x ** 2, axis=1, keepdims=True)
                 - 2.0 * flat_x @ e_i_ts
                 + jnp.sum(e_i_ts ** 2, axis=0, keepdims=True))
    encoding_indices = jnp.argmin(distances, axis=1).reshape(B, L)
    # embedding lookup into codebook (K, E) = e_i_ts.T
    quantized_x = jnp.take(e_i_ts.T, encoding_indices, axis=0).reshape(B, L, E)
    dictionary_loss = jnp.mean((jax.lax.stop_gradient(x) - quantized_x) ** 2)
    commitment_loss = jnp.mean((x - jax.lax.stop_gradient(quantized_x)) ** 2)
    quantized_x_ste = x + jax.lax.stop_gradient(quantized_x - x)
    return (quantized_x_ste, dictionary_loss, commitment_loss, encoding_indices)

if __name__ == "__main__":
    import jax
    _d = setup_inputs()
    print(jax.jit(kernel)(*tuple(_d.values())))

</pallas_src>

<mosaic_0001>
#map = affine_map<(d0, d1) -> (0, 0)>
#map1 = affine_map<(d0, d1) -> (0)>
#map2 = affine_map<(d0, d1) -> (0, 0, 0)>
module attributes {stable_mosaic.version = 14 : i64} {
  func.func @gather_kernel(%arg0: i32, %arg1: i32, %arg2: memref<1024x64xf32, #tpu.memory_space<hbm>>, %arg3: memref<9216xi32, #tpu.memory_space<hbm>>, %arg4: memref<16x576x64xf32, #tpu.memory_space<hbm>>, %arg5: memref<288xi32, #tpu.memory_space<vmem>>, %arg6: memref<288x64xf32, #tpu.memory_space<vmem>>, %arg7: memref<!tpu.dma_semaphore, #tpu.memory_space<semaphore_mem>>, %arg8: memref<!tpu.dma_semaphore, #tpu.memory_space<semaphore_mem>>) attributes {dimension_semantics = [#tpu.dimension_semantics<core_parallel>, #tpu.dimension_semantics<subcore_parallel>], iteration_bounds = array<i64: 2, 16>, scalar_prefetch = 0 : i64, scratch_operands = 4 : i64, tpu.core_type = #tpu.core_type<sc_vector_subcore>, window_params = [{transform_indices = #map}, {transform_indices = #map1}, {transform_indices = #map2}]} {
    %mul3A = arith.constant 2 : i32
    %mul3A_0 = arith.muli %arg1, %mul3A : i32
    %add3A = arith.addi %mul3A_0, %arg0 : i32
    %jit3A = arith.constant 2 : i32
    %div3A = arith.divsi %add3A, %jit3A : i32
    %sign3A = arith.constant 0 : i32
    %sign3A_1 = arith.cmpi sgt, %add3A, %sign3A : i32
    %sign3A_2 = arith.extui %sign3A_1 : i1 to i32
    %sign3A_3 = arith.constant 0 : i32
    %sign3A_4 = arith.cmpi slt, %add3A, %sign3A_3 : i32
    %sign3A_5 = arith.extui %sign3A_4 : i1 to i32
    %sign3A_6 = arith.subi %sign3A_2, %sign3A_5 : i32
    %sign3A_7 = arith.constant 0 : i32
    %sign3A_8 = arith.cmpi sgt, %jit3A, %sign3A_7 : i32
    %sign3A_9 = arith.extui %sign3A_8 : i1 to i32
    %sign3A_10 = arith.constant 0 : i32
    %sign3A_11 = arith.cmpi slt, %jit3A, %sign3A_10 : i32
    %sign3A_12 = arith.extui %sign3A_11 : i1 to i32
    %sign3A_13 = arith.subi %sign3A_9, %sign3A_12 : i32
    %ne3A = arith.cmpi ne, %sign3A_6, %sign3A_13 : i32
    %rem3A = arith.remsi %add3A, %jit3A : i32
    %ne3A_14 = arith.constant 0 : i32
    %ne3A_15 = arith.cmpi ne, %rem3A, %ne3A_14 : i32
    %and3A = arith.andi %ne3A, %ne3A_15 : i1
    %sub3A = arith.constant 1 : i32
    %sub3A_16 = arith.subi %div3A, %sub3A : i32
    %select_n3A = arith.select %and3A, %sub3A_16, %div3A : i32
    %jit3A_17 = arith.constant 2 : i32
    %eq3A = arith.constant 0 : i32
    %eq3A_18 = arith.cmpi eq, %jit3A_17, %eq3A : i32
    %jit3A_19 = arith.constant 1 : i32
    %select_n3A_20 = arith.select %eq3A_18, %jit3A_19, %jit3A_17 : i32
    %rem3A_21 = arith.remsi %add3A, %select_n3A_20 : i32
    %ne3A_22 = arith.constant 0 : i32
    %ne3A_23 = arith.cmpi ne, %rem3A_21, %ne3A_22 : i32
    %lt3A = arith.constant 0 : i32
    %lt3A_24 = arith.cmpi slt, %rem3A_21, %lt3A : i32
    %lt3A_25 = arith.constant 0 : i32
    %lt3A_26 = arith.cmpi slt, %select_n3A_20, %lt3A_25 : i32
    %ne3A_27 = arith.xori %lt3A_24, %lt3A_26 : i1
    %and3A_28 = arith.andi %ne3A_27, %ne3A_23 : i1
    %add3A_29 = arith.addi %rem3A_21, %select_n3A_20 : i32
    %select_n3A_30 = arith.select %and3A_28, %add3A_29, %rem3A_21 : i32
    %mul3A_31 = arith.constant 288 : i32
    %mul3A_32 = arith.muli %select_n3A_30, %mul3A_31 : i32
    %mul3A_33 = arith.constant 288 : i32
    %mul3A_34 = arith.muli %add3A, %mul3A_33 : i32
    "tpu.region"() ({
      %run_scoped3A = tpu.sem_alloc : memref<!tpu.dma_semaphore, #tpu.memory_space<semaphore_mem>>
      %dma_start3A_159 = tpu.memref_slice %arg3[%mul3A_34] : memref<9216xi32, #tpu.memory_space<hbm>> -> memref<288xi32, #tpu.memory_space<hbm>>
      %dma_start3A_160 = tpu.memref_slice %arg3[%mul3A_34] : memref<9216xi32, #tpu.memory_space<hbm>> -> memref<288xi32, #tpu.memory_space<hbm>>
      tpu.enqueue_dma source(%dma_start3A_160 : memref<288xi32, #tpu.memory_space<hbm>>) target(%arg5 : memref<288xi32, #tpu.memory_space<vmem>>) target_semaphore(%run_scoped3A : memref<!tpu.dma_semaphore, #tpu.memory_space<semaphore_mem>>)
      %dma_wait3A_161 = tpu.memref_slice %arg3[%mul3A_34] : memref<9216xi32, #tpu.memory_space<hbm>> -> memref<288xi32, #tpu.memory_space<hbm>>
      %dma_wait3A_162 = tpu.memref_slice %arg3[%mul3A_34] : memref<9216xi32, #tpu.memory_space<hbm>> -> memref<288xi32, #tpu.memory_space<hbm>>
      tpu.wait_dma2 semaphore(%run_scoped3A : memref<!tpu.dma_semaphore, #tpu.memory_space<semaphore_mem>>) src(%dma_wait3A_162 : memref<288xi32, #tpu.memory_space<hbm>>) dst(%arg5 : memref<288xi32, #tpu.memory_space<vmem>>)
      tpu.yield
    }) : () -> ()
    %dma_start3A = arith.constant 0 : i32
    %dma_start3A_35 = arith.constant 0 : i32
    %dma_start3A_36 = tpu.memref_slice %arg6[%dma_start3A, %dma_start3A_35] : memref<288x64xf32, #tpu.memory_space<vmem>> -> memref<96x64xf32, #tpu.memory_space<vmem>>
    %dma_start3A_37 = arith.constant 0 : i32
    %dma_start3A_38 = tpu.memref_slice %arg5[%dma_start3A_37] : memref<288xi32, #tpu.memory_space<vmem>> -> memref<96xi32, #tpu.memory_space<vmem>>
    %dma_start3A_39 = arith.constant 0 : i32
    %dma_start3A_40 = arith.constant 0 : i32
    %dma_start3A_41 = tpu.memref_slice %arg2[%dma_start3A_39, %dma_start3A_40] : memref<1024x64xf32, #tpu.memory_space<hbm>> -> memref<1024x64xf32, #tpu.memory_space<hbm>>
    tpu.enqueue_indirect_dma source(%dma_start3A_41 : memref<1024x64xf32, #tpu.memory_space<hbm>>) target(%dma_start3A_36 : memref<96x64xf32, #tpu.memory_space<vmem>>) offsets(%dma_start3A_38 : memref<96xi32, #tpu.memory_space<vmem>>) semaphore(%arg7 : memref<!tpu.dma_semaphore, #tpu.memory_space<semaphore_mem>>)
    %dma_start3A_42 = arith.constant 96 : i32
    %dma_start3A_43 = arith.constant 0 : i32
    %dma_start3A_44 = tpu.memref_slice %arg6[%dma_start3A_42, %dma_start3A_43] : memref<288x64xf32, #tpu.memory_space<vmem>> -> memref<96x64xf32, #tpu.memory_space<vmem>>
    %dma_start3A_45 = arith.constant 96 : i32
    %dma_start3A_46 = tpu.memref_slice %arg5[%dma_start3A_45] : memref<288xi32, #tpu.memory_space<vmem>> -> memref<96xi32, #tpu.memory_space<vmem>>
    %dma_start3A_47 = arith.constant 0 : i32
    %dma_start3A_48 = arith.constant 0 : i32
    %dma_start3A_49 = tpu.memref_slice %arg2[%dma_start3A_47, %dma_start3A_48] : memref<1024x64xf32, #tpu.memory_space<hbm>> -> memref<1024x64xf32, #tpu.memory_space<hbm>>
    tpu.enqueue_indirect_dma source(%dma_start3A_49 : memref<1024x64xf32, #tpu.memory_space<hbm>>) target(%dma_start3A_44 : memref<96x64xf32, #tpu.memory_space<vmem>>) offsets(%dma_start3A_46 : memref<96xi32, #tpu.memory_space<vmem>>) semaphore(%arg7 : memref<!tpu.dma_semaphore, #tpu.memory_space<semaphore_mem>>)
    %dma_start3A_50 = arith.constant 192 : i32
    %dma_start3A_51 = arith.constant 0 : i32
    %dma_start3A_52 = tpu.memref_slice %arg6[%dma_start3A_50, %dma_start3A_51] : memref<288x64xf32, #tpu.memory_space<vmem>> -> memref<96x64xf32, #tpu.memory_space<vmem>>
    %dma_start3A_53 = arith.constant 192 : i32
    %dma_start3A_54 = tpu.memref_slice %arg5[%dma_start3A_53] : memref<288xi32, #tpu.memory_space<vmem>> -> memref<96xi32, #tpu.memory_space<vmem>>
    %dma_start3A_55 = arith.constant 0 : i32
    %dma_start3A_56 = arith.constant 0 : i32
    %dma_start3A_57 = tpu.memref_slice %arg2[%dma_start3A_55, %dma_start3A_56] : memref<1024x64xf32, #tpu.memory_space<hbm>> -> memref<1024x64xf32, #tpu.memory_space<hbm>>
    tpu.enqueue_indirect_dma source(%dma_start3A_57 : memref<1024x64xf32, #tpu.memory_space<hbm>>) target(%dma_start3A_52 : memref<96x64xf32, #tpu.memory_space<vmem>>) offsets(%dma_start3A_54 : memref<96xi32, #tpu.memory_space<vmem>>) semaphore(%arg7 : memref<!tpu.dma_semaphore, #tpu.memory_space<semaphore_mem>>)
    %dma_wait3A = arith.constant 0 : i32
    %dma_wait3A_58 = arith.constant 0 : i32
    %dma_wait3A_59 = tpu.memref_slice %arg6[%dma_wait3A, %dma_wait3A_58] : memref<288x64xf32, #tpu.memory_space<vmem>> -> memref<96x64xf32, #tpu.memory_space<vmem>>
    %dma_wait3A_60 = arith.constant 0 : i32
    %dma_wait3A_61 = tpu.memref_slice %arg5[%dma_wait3A_60] : memref<288xi32, #tpu.memory_space<vmem>> -> memref<96xi32, #tpu.memory_space<vmem>>
    %dma_wait3A_62 = arith.constant 0 : i32
    %dma_wait3A_63 = arith.constant 0 : i32
    %dma_wait3A_64 = tpu.memref_slice %arg2[%dma_wait3A_62, %dma_wait3A_63] : memref<1024x64xf32, #tpu.memory_space<hbm>> -> memref<1024x64xf32, #tpu.memory_space<hbm>>
    tpu.wait_indirect_dma semaphore(%arg7 : memref<!tpu.dma_semaphore, #tpu.memory_space<semaphore_mem>>) src(%dma_wait3A_64 : memref<1024x64xf32, #tpu.memory_space<hbm>>) dst(%dma_wait3A_59 : memref<96x64xf32, #tpu.memory_space<vmem>>)
    %add3A_65 = arith.constant 0 : i32
    %add3A_66 = arith.addi %mul3A_32, %add3A_65 : i32
    %dma_start3A_67 = arith.constant 0 : i32
    %dma_start3A_68 = arith.constant 0 : i32
    %dma_start3A_69 = tpu.memref_slice %arg6[%dma_start3A_67, %dma_start3A_68] : memref<288x64xf32, #tpu.memory_space<vmem>> -> memref<96x64xf32, #tpu.memory_space<vmem>>
    %dma_start3A_70 = arith.constant 0 : i32
    %dma_start3A_71 = tpu.memref_slice %arg4[%select_n3A, %add3A_66, %dma_start3A_70] : memref<16x576x64xf32, #tpu.memory_space<hbm>> -> memref<1x96x64xf32, #tpu.memory_space<hbm>>
    %dma_start3A_72 = tpu.memref_squeeze %dma_start3A_71 : memref<1x96x64xf32, #tpu.memory_space<hbm>> -> memref<96x64xf32, #tpu.memory_space<hbm>>
    %dma_start3A_73 = arith.constant 0 : i32
    %dma_start3A_74 = tpu.memref_slice %arg4[%select_n3A, %add3A_66, %dma_start3A_73] : memref<16x576x64xf32, #tpu.memory_space<hbm>> -> memref<1x96x64xf32, #tpu.memory_space<hbm>>
    %dma_start3A_75 = tpu.memref_squeeze %dma_start3A_74 : memref<1x96x64xf32, #tpu.memory_space<hbm>> -> memref<96x64xf32, #tpu.memory_space<hbm>>
    %dma_start3A_76 = arith.constant 0 : i32
    %dma_start3A_77 = arith.constant 0 : i32
    %dma_start3A_78 = tpu.memref_slice %arg6[%dma_start3A_76, %dma_start3A_77] : memref<288x64xf32, #tpu.memory_space<vmem>> -> memref<96x64xf32, #tpu.memory_space<vmem>>
    tpu.enqueue_dma source(%dma_start3A_78 : memref<96x64xf32, #tpu.memory_space<vmem>>) target(%dma_start3A_75 : memref<96x64xf32, #tpu.memory_space<hbm>>) target_semaphore(%arg8 : memref<!tpu.dma_semaphore, #tpu.memory_space<semaphore_mem>>)
    %dma_wait3A_79 = arith.constant 96 : i32
    %dma_wait3A_80 = arith.constant 0 : i32
    %dma_wait3A_81 = tpu.memref_slice %arg6[%dma_wait3A_79, %dma_wait3A_80] : memref<288x64xf32, #tpu.memory_space<vmem>> -> memref<96x64xf32, #tpu.memory_space<vmem>>
    %dma_wait3A_82 = arith.constant 96 : i32
    %dma_wait3A_83 = tpu.memref_slice %arg5[%dma_wait3A_82] : memref<288xi32, #tpu.memory_space<vmem>> -> memref<96xi32, #tpu.memory_space<vmem>>
    %dma_wait3A_84 = arith.constant 0 : i32
    %dma_wait3A_85 = arith.constant 0 : i32
    %dma_wait3A_86 = tpu.memref_slice %arg2[%dma_wait3A_84, %dma_wait3A_85] : memref<1024x64xf32, #tpu.memory_space<hbm>> -> memref<1024x64xf32, #tpu.memory_space<hbm>>
    tpu.wait_indirect_dma semaphore(%arg7 : memref<!tpu.dma_semaphore, #tpu.memory_space<semaphore_mem>>) src(%dma_wait3A_86 : memref<1024x64xf32, #tpu.memory_space<hbm>>) dst(%dma_wait3A_81 : memref<96x64xf32, #tpu.memory_space<vmem>>)
    %add3A_87 = arith.constant 96 : i32
    %add3A_88 = arith.addi %mul3A_32, %add3A_87 : i32
    %dma_start3A_89 = arith.constant 96 : i32
    %dma_start3A_90 = arith.constant 0 : i32
    %dma_start3A_91 = tpu.memref_slice %arg6[%dma_start3A_89, %dma_start3A_90] : memref<288x64xf32, #tpu.memory_space<vmem>> -> memref<96x64xf32, #tpu.memory_space<vmem>>
    %dma_start3A_92 = arith.constant 0 : i32
    %dma_start3A_93 = tpu.memref_slice %arg4[%select_n3A, %add3A_88, %dma_start3A_92] : memref<16x576x64xf32, #tpu.memory_space<hbm>> -> memref<1x96x64xf32, #tpu.memory_space<hbm>>
    %dma_start3A_94 = tpu.memref_squeeze %dma_start3A_93 : memref<1x96x64xf32, #tpu.memory_space<hbm>> -> memref<96x64xf32, #tpu.memory_space<hbm>>
    %dma_start3A_95 = arith.constant 0 : i32
    %dma_start3A_96 = tpu.memref_slice %arg4[%select_n3A, %add3A_88, %dma_start3A_95] : memref<16x576x64xf32, #tpu.memory_space<hbm>> -> memref<1x96x64xf32, #tpu.memory_space<hbm>>
    %dma_start3A_97 = tpu.memref_squeeze %dma_start3A_96 : memref<1x96x64xf32, #tpu.memory_space<hbm>> -> memref<96x64xf32, #tpu.memory_space<hbm>>
    %dma_start3A_98 = arith.constant 96 : i32
    %dma_start3A_99 = arith.constant 0 : i32
    %dma_start3A_100 = tpu.memref_slice %arg6[%dma_start3A_98, %dma_start3A_99] : memref<288x64xf32, #tpu.memory_space<vmem>> -> memref<96x64xf32, #tpu.memory_space<vmem>>
    tpu.enqueue_dma source(%dma_start3A_100 : memref<96x64xf32, #tpu.memory_space<vmem>>) target(%dma_start3A_97 : memref<96x64xf32, #tpu.memory_space<hbm>>) target_semaphore(%arg8 : memref<!tpu.dma_semaphore, #tpu.memory_space<semaphore_mem>>)
    %dma_wait3A_101 = arith.constant 192 : i32
    %dma_wait3A_102 = arith.constant 0 : i32
    %dma_wait3A_103 = tpu.memref_slice %arg6[%dma_wait3A_101, %dma_wait3A_102] : memref<288x64xf32, #tpu.memory_space<vmem>> -> memref<96x64xf32, #tpu.memory_space<vmem>>
    %dma_wait3A_104 = arith.constant 192 : i32
    %dma_wait3A_105 = tpu.memref_slice %arg5[%dma_wait3A_104] : memref<288xi32, #tpu.memory_space<vmem>> -> memref<96xi32, #tpu.memory_space<vmem>>
    %dma_wait3A_106 = arith.constant 0 : i32
    %dma_wait3A_107 = arith.constant 0 : i32
    %dma_wait3A_108 = tpu.memref_slice %arg2[%dma_wait3A_106, %dma_wait3A_107] : memref<1024x64xf32, #tpu.memory_space<hbm>> -> memref<1024x64xf32, #tpu.memory_space<hbm>>
    tpu.wait_indirect_dma semaphore(%arg7 : memref<!tpu.dma_semaphore, #tpu.memory_space<semaphore_mem>>) src(%dma_wait3A_108 : memref<1024x64xf32, #tpu.memory_space<hbm>>) dst(%dma_wait3A_103 : memref<96x64xf32, #tpu.memory_space<vmem>>)
    %add3A_109 = arith.constant 192 : i32
    %add3A_110 = arith.addi %mul3A_32, %add3A_109 : i32
    %dma_start3A_111 = arith.constant 192 : i32
    %dma_start3A_112 = arith.constant 0 : i32
    %dma_start3A_113 = tpu.memref_slice %arg6[%dma_start3A_111, %dma_start3A_112] : memref<288x64xf32, #tpu.memory_space<vmem>> -> memref<96x64xf32, #tpu.memory_space<vmem>>
    %dma_start3A_114 = arith.constant 0 : i32
    %dma_start3A_115 = tpu.memref_slice %arg4[%select_n3A, %add3A_110, %dma_start3A_114] : memref<16x576x64xf32, #tpu.memory_space<hbm>> -> memref<1x96x64xf32, #tpu.memory_space<hbm>>
    %dma_start3A_116 = tpu.memref_squeeze %dma_start3A_115 : memref<1x96x64xf32, #tpu.memory_space<hbm>> -> memref<96x64xf32, #tpu.memory_space<hbm>>
    %dma_start3A_117 = arith.constant 0 : i32
    %dma_start3A_118 = tpu.memref_slice %arg4[%select_n3A, %add3A_110, %dma_start3A_117] : memref<16x576x64xf32, #tpu.memory_space<hbm>> -> memref<1x96x64xf32, #tpu.memory_space<hbm>>
    %dma_start3A_119 = tpu.memref_squeeze %dma_start3A_118 : memref<1x96x64xf32, #tpu.memory_space<hbm>> -> memref<96x64xf32, #tpu.memory_space<hbm>>
    %dma_start3A_120 = arith.constant 192 : i32
    %dma_start3A_121 = arith.constant 0 : i32
    %dma_start3A_122 = tpu.memref_slice %arg6[%dma_start3A_120, %dma_start3A_121] : memref<288x64xf32, #tpu.memory_space<vmem>> -> memref<96x64xf32, #tpu.memory_space<vmem>>
    tpu.enqueue_dma source(%dma_start3A_122 : memref<96x64xf32, #tpu.memory_space<vmem>>) target(%dma_start3A_119 : memref<96x64xf32, #tpu.memory_space<hbm>>) target_semaphore(%arg8 : memref<!tpu.dma_semaphore, #tpu.memory_space<semaphore_mem>>)
    %dma_wait3A_123 = arith.constant 0 : i32
    %dma_wait3A_124 = arith.constant 0 : i32
    %dma_wait3A_125 = tpu.memref_slice %arg6[%dma_wait3A_123, %dma_wait3A_124] : memref<288x64xf32, #tpu.memory_space<vmem>> -> memref<96x64xf32, #tpu.memory_space<vmem>>
    %dma_wait3A_126 = arith.constant 0 : i32
    %dma_wait3A_127 = tpu.memref_slice %arg4[%select_n3A, %add3A_66, %dma_wait3A_126] : memref<16x576x64xf32, #tpu.memory_space<hbm>> -> memref<1x96x64xf32, #tpu.memory_space<hbm>>
    %dma_wait3A_128 = tpu.memref_squeeze %dma_wait3A_127 : memref<1x96x64xf32, #tpu.memory_space<hbm>> -> memref<96x64xf32, #tpu.memory_space<hbm>>
    %dma_wait3A_129 = arith.constant 0 : i32
    %dma_wait3A_130 = tpu.memref_slice %arg4[%select_n3A, %add3A_66, %dma_wait3A_129] : memref<16x576x64xf32, #tpu.memory_space<hbm>> -> memref<1x96x64xf32, #tpu.memory_space<hbm>>
    %dma_wait3A_131 = tpu.memref_squeeze %dma_wait3A_130 : memref<1x96x64xf32, #tpu.memory_space<hbm>> -> memref<96x64xf32, #tpu.memory_space<hbm>>
    %dma_wait3A_132 = arith.constant 0 : i32
    %dma_wait3A_133 = arith.constant 0 : i32
    %dma_wait3A_134 = tpu.memref_slice %arg6[%dma_wait3A_132, %dma_wait3A_133] : memref<288x64xf32, #tpu.memory_space<vmem>> -> memref<96x64xf32, #tpu.memory_space<vmem>>
    tpu.wait_dma2 semaphore(%arg8 : memref<!tpu.dma_semaphore, #tpu.memory_space<semaphore_mem>>) src(%dma_wait3A_134 : memref<96x64xf32, #tpu.memory_space<vmem>>) dst(%dma_wait3A_131 : memref<96x64xf32, #tpu.memory_space<hbm>>)
    %dma_wait3A_135 = arith.constant 96 : i32
    %dma_wait3A_136 = arith.constant 0 : i32
    %dma_wait3A_137 = tpu.memref_slice %arg6[%dma_wait3A_135, %dma_wait3A_136] : memref<288x64xf32, #tpu.memory_space<vmem>> -> memref<96x64xf32, #tpu.memory_space<vmem>>
    %dma_wait3A_138 = arith.constant 0 : i32
    %dma_wait3A_139 = tpu.memref_slice %arg4[%select_n3A, %add3A_88, %dma_wait3A_138] : memref<16x576x64xf32, #tpu.memory_space<hbm>> -> memref<1x96x64xf32, #tpu.memory_space<hbm>>
    %dma_wait3A_140 = tpu.memref_squeeze %dma_wait3A_139 : memref<1x96x64xf32, #tpu.memory_space<hbm>> -> memref<96x64xf32, #tpu.memory_space<hbm>>
    %dma_wait3A_141 = arith.constant 0 : i32
    %dma_wait3A_142 = tpu.memref_slice %arg4[%select_n3A, %add3A_88, %dma_wait3A_141] : memref<16x576x64xf32, #tpu.memory_space<hbm>> -> memref<1x96x64xf32, #tpu.memory_space<hbm>>
    %dma_wait3A_143 = tpu.memref_squeeze %dma_wait3A_142 : memref<1x96x64xf32, #tpu.memory_space<hbm>> -> memref<96x64xf32, #tpu.memory_space<hbm>>
    %dma_wait3A_144 = arith.constant 96 : i32
    %dma_wait3A_145 = arith.constant 0 : i32
    %dma_wait3A_146 = tpu.memref_slice %arg6[%dma_wait3A_144, %dma_wait3A_145] : memref<288x64xf32, #tpu.memory_space<vmem>> -> memref<96x64xf32, #tpu.memory_space<vmem>>
    tpu.wait_dma2 semaphore(%arg8 : memref<!tpu.dma_semaphore, #tpu.memory_space<semaphore_mem>>) src(%dma_wait3A_146 : memref<96x64xf32, #tpu.memory_space<vmem>>) dst(%dma_wait3A_143 : memref<96x64xf32, #tpu.memory_space<hbm>>)
    %dma_wait3A_147 = arith.constant 192 : i32
    %dma_wait3A_148 = arith.constant 0 : i32
    %dma_wait3A_149 = tpu.memref_slice %arg6[%dma_wait3A_147, %dma_wait3A_148] : memref<288x64xf32, #tpu.memory_space<vmem>> -> memref<96x64xf32, #tpu.memory_space<vmem>>
    %dma_wait3A_150 = arith.constant 0 : i32
    %dma_wait3A_151 = tpu.memref_slice %arg4[%select_n3A, %add3A_110, %dma_wait3A_150] : memref<16x576x64xf32, #tpu.memory_space<hbm>> -> memref<1x96x64xf32, #tpu.memory_space<hbm>>
    %dma_wait3A_152 = tpu.memref_squeeze %dma_wait3A_151 : memref<1x96x64xf32, #tpu.memory_space<hbm>> -> memref<96x64xf32, #tpu.memory_space<hbm>>
    %dma_wait3A_153 = arith.constant 0 : i32
    %dma_wait3A_154 = tpu.memref_slice %arg4[%select_n3A, %add3A_110, %dma_wait3A_153] : memref<16x576x64xf32, #tpu.memory_space<hbm>> -> memref<1x96x64xf32, #tpu.memory_space<hbm>>
    %dma_wait3A_155 = tpu.memref_squeeze %dma_wait3A_154 : memref<1x96x64xf32, #tpu.memory_space<hbm>> -> memref<96x64xf32, #tpu.memory_space<hbm>>
    %dma_wait3A_156 = arith.constant 192 : i32
    %dma_wait3A_157 = arith.constant 0 : i32
    %dma_wait3A_158 = tpu.memref_slice %arg6[%dma_wait3A_156, %dma_wait3A_157] : memref<288x64xf32, #tpu.memory_space<vmem>> -> memref<96x64xf32, #tpu.memory_space<vmem>>
    tpu.wait_dma2 semaphore(%arg8 : memref<!tpu.dma_semaphore, #tpu.memory_space<semaphore_mem>>) src(%dma_wait3A_158 : memref<96x64xf32, #tpu.memory_space<vmem>>) dst(%dma_wait3A_155 : memref<96x64xf32, #tpu.memory_space<hbm>>)
    return
  }
}

module attributes {stable_mosaic.version = 14 : i64} {
  func.func @_argmin_body(%arg0: i32, %arg1: memref<2x576x64xf32, #tpu.memory_space<vmem>>, %arg2: memref<64x1024xf32, #tpu.memory_space<vmem>>, %arg3: memref<9216xi32, #tpu.memory_space<vmem>>, %arg4: memref<1x1xf32, #tpu.memory_space<smem>>) attributes {dimension_semantics = [#tpu.dimension_semantics<arbitrary>], iteration_bounds = array<i64: 8>, scalar_prefetch = 0 : i64, scratch_operands = 0 : i64, tpu.core_type = #tpu.core_type<tc>, window_params = [{transform_indices = @transform_0, window_bounds = array<i64: 2, 576, 64>}, {pipeline_mode = #tpu.pipeline_mode<synchronous>, transform_indices = @transform_1, window_bounds = array<i64: 64, 1024>}, {pipeline_mode = #tpu.pipeline_mode<synchronous>, transform_indices = @transform_2, window_bounds = array<i64: 9216>}, {transform_indices = @transform_3, window_bounds = array<i64: 1, 1>}]} {
    %get3A = arith.constant 0 : index
    %get3A_0 = arith.constant 0 : index
    %get3A_1 = vector.load %arg2[%get3A, %get3A_0] : memref<64x1024xf32, #tpu.memory_space<vmem>>, vector<64x1024xf32>
    %mul3A = arith.constant -2.000000e+00 : f32
    %mul3A_2 = vector.broadcast %mul3A : f32 to vector<64x1024xf32>
    %mul3A_3 = arith.mulf %get3A_1, %mul3A_2 : vector<64x1024xf32>
    %mul3A_4 = arith.mulf %get3A_1, %get3A_1 : vector<64x1024xf32>
    %reduce_sum3A = arith.constant dense<0.000000e+00> : vector<1024xf32>
    %reduce_sum3A_5 = vector.multi_reduction <add>, %mul3A_4, %reduce_sum3A [0] : vector<64x1024xf32> to vector<1024xf32>
    %broadcast_in_dim3A = vector.shape_cast %reduce_sum3A_5 : vector<1024xf32> to vector<1x1024xf32>
    %mul3A_6 = arith.constant 1152 : i32
    %mul3A_7 = arith.muli %arg0, %mul3A_6 : i32
    %get3A_8 = arith.constant 0 : index
    %get3A_9 = arith.constant 0 : index
    %get3A_10 = arith.constant 0 : index
    %get3A_11 = vector.load %arg1[%get3A_8, %get3A_9, %get3A_10] : memref<2x576x64xf32, #tpu.memory_space<vmem>>, vector<2x576x64xf32>
    %reshape3A = vector.shape_cast %get3A_11 : vector<2x576x64xf32> to vector<1152x64xf32>
    %slice3A = vector.extract_strided_slice %reshape3A {offsets = [0, 0], sizes = [128, 64], strides = [1, 1]} : vector<1152x64xf32> to vector<128x64xf32>
    %dot_general3A = arith.constant dense<0.000000e+00> : vector<128x1024xf32>
    %dot_general3A_12 = tpu.matmul %slice3A, %mul3A_3, %dot_general3A {dimension_numbers = #tpu.dot_dimension_numbers<[1], [0], [0], [1], [0, 0, 1, 1], [], []>, transpose_lhs_hint = false} : vector<128x64xf32>, vector<64x1024xf32>, vector<128x1024xf32> -> vector<128x1024xf32>
    %mul3A_13 = arith.mulf %slice3A, %slice3A : vector<128x64xf32>
    %reduce_sum3A_14 = arith.constant dense<0.000000e+00> : vector<128xf32>
    %reduce_sum3A_15 = vector.multi_reduction <add>, %mul3A_13, %reduce_sum3A_14 [1] : vector<128x64xf32> to vector<128xf32>
    %broadcast_in_dim3A_16 = vector.shape_cast %reduce_sum3A_15 : vector<128xf32> to vector<128x1xf32>
    %add3A = vector.broadcast %broadcast_in_dim3A_16 : vector<128x1xf32> to vector<128x1024xf32>
    %add3A_17 = arith.addf %add3A, %dot_general3A_12 : vector<128x1024xf32>
    %add3A_18 = vector.broadcast %broadcast_in_dim3A : vector<1x1024xf32> to vector<128x1024xf32>
    %add3A_19 = arith.addf %add3A_17, %add3A_18 : vector<128x1024xf32>
    %reduce_min3A = arith.constant dense<0x7F800000> : vector<128xf32>
    %reduce_min3A_20 = vector.multi_reduction <minimumf>, %add3A_19, %reduce_min3A [1] : vector<128x1024xf32> to vector<128xf32>
    %broadcast_in_dim3A_21 = vector.shape_cast %reduce_min3A_20 : vector<128xf32> to vector<128x1xf32>
    %iota3A = tpu.iota {dimensions = array<i32: 1>} : vector<128x1024xi32>
    %convert_element_type3A = arith.sitofp %iota3A : vector<128x1024xi32> to vector<128x1024xf32>
    %eq3A = vector.broadcast %broadcast_in_dim3A_21 : vector<128x1xf32> to vector<128x1024xf32>
    %eq3A_22 = arith.cmpf oeq, %add3A_19, %eq3A : vector<128x1024xf32>
    %jit3A = arith.constant 1.024000e+03 : f32
    %broadcast_in_dim3A_23 = vector.broadcast %jit3A : f32 to vector<128x1024xf32>
    %select_n3A = arith.select %eq3A_22, %convert_element_type3A, %broadcast_in_dim3A_23 : vector<128x1024xi1>, vector<128x1024xf32>
    %reduce_min3A_24 = arith.constant dense<0x7F800000> : vector<128xf32>
    %reduce_min3A_25 = vector.multi_reduction <minimumf>, %select_n3A, %reduce_min3A_24 [1] : vector<128x1024xf32> to vector<128xf32>
    %convert_element_type3A_26 = arith.fptosi %reduce_min3A_25 : vector<128xf32> to vector<128xi32>
    %add3A_27 = arith.constant 0 : i32
    %add3A_28 = arith.addi %mul3A_7, %add3A_27 : i32
    %swap3A = arith.index_cast %add3A_28 : i32 to index
    %swap3A_29 = vector.load %arg3[%swap3A] : memref<9216xi32, #tpu.memory_space<vmem>>, vector<128xi32>
    tpu.vector_store %arg3[%swap3A], %convert_element_type3A_26 {strides = array<i32>} : memref<9216xi32, #tpu.memory_space<vmem>>, vector<128xi32>,
    %reduce_sum3A_30 = vector.shape_cast %broadcast_in_dim3A_21 : vector<128x1xf32> to vector<1x128x1xf32>
    %reduce_sum3A_31 = arith.constant dense<0.000000e+00> : vector<1xf32>
    %reduce_sum3A_32 = vector.multi_reduction <add>, %reduce_sum3A_30, %reduce_sum3A_31 [1, 2] : vector<1x128x1xf32> to vector<1xf32>
    %reduce_sum3A_33 = vector.shape_cast %reduce_sum3A_32 : vector<1xf32> to vector<1x1x1xf32>
    %reduce_sum3A_34 = vector.extract %reduce_sum3A_33[0, 0, 0] : f32 from vector<1x1x1xf32>
    %add3A_35 = arith.constant 0.000000e+00 : f32
    %add3A_36 = arith.addf %add3A_35, %reduce_sum3A_34 : f32
    %slice3A_37 = vector.extract_strided_slice %reshape3A {offsets = [128, 0], sizes = [128, 64], strides = [1, 1]} : vector<1152x64xf32> to vector<128x64xf32>
    %dot_general3A_38 = arith.constant dense<0.000000e+00> : vector<128x1024xf32>
    %dot_general3A_39 = tpu.matmul %slice3A_37, %mul3A_3, %dot_general3A_38 {dimension_numbers = #tpu.dot_dimension_numbers<[1], [0], [0], [1], [0, 0, 1, 1], [], []>, transpose_lhs_hint = false} : vector<128x64xf32>, vector<64x1024xf32>, vector<128x1024xf32> -> vector<128x1024xf32>
    %mul3A_40 = arith.mulf %slice3A_37, %slice3A_37 : vector<128x64xf32>
    %reduce_sum3A_41 = arith.constant dense<0.000000e+00> : vector<128xf32>
    %reduce_sum3A_42 = vector.multi_reduction <add>, %mul3A_40, %reduce_sum3A_41 [1] : vector<128x64xf32> to vector<128xf32>
    %broadcast_in_dim3A_43 = vector.shape_cast %reduce_sum3A_42 : vector<128xf32> to vector<128x1xf32>
    %add3A_44 = vector.broadcast %broadcast_in_dim3A_43 : vector<128x1xf32> to vector<128x1024xf32>
    %add3A_45 = arith.addf %add3A_44, %dot_general3A_39 : vector<128x1024xf32>
    %add3A_46 = vector.broadcast %broadcast_in_dim3A : vector<1x1024xf32> to vector<128x1024xf32>
    %add3A_47 = arith.addf %add3A_45, %add3A_46 : vector<128x1024xf32>
    %reduce_min3A_48 = arith.constant dense<0x7F800000> : vector<128xf32>
    %reduce_min3A_49 = vector.multi_reduction <minimumf>, %add3A_47, %reduce_min3A_48 [1] : vector<128x1024xf32> to vector<128xf32>
    %broadcast_in_dim3A_50 = vector.shape_cast %reduce_min3A_49 : vector<128xf32> to vector<128x1xf32>
    %iota3A_51 = tpu.iota {dimensions = array<i32: 1>} : vector<128x1024xi32>
    %convert_element_type3A_52 = arith.sitofp %iota3A_51 : vector<128x1024xi32> to vector<128x1024xf32>
    %eq3A_53 = vector.broadcast %broadcast_in_dim3A_50 : vector<128x1xf32> to vector<128x1024xf32>
    %eq3A_54 = arith.cmpf oeq, %add3A_47, %eq3A_53 : vector<128x1024xf32>
    %jit3A_55 = arith.constant 1.024000e+03 : f32
    %broadcast_in_dim3A_56 = vector.broadcast %jit3A_55 : f32 to vector<128x1024xf32>
    %select_n3A_57 = arith.select %eq3A_54, %convert_element_type3A_52, %broadcast_in_dim3A_56 : vector<128x1024xi1>, vector<128x1024xf32>
    %reduce_min3A_58 = arith.constant dense<0x7F800000> : vector<128xf32>
    %reduce_min3A_59 = vector.multi_reduction <minimumf>, %select_n3A_57, %reduce_min3A_58 [1] : vector<128x1024xf32> to vector<128xf32>
    %convert_element_type3A_60 = arith.fptosi %reduce_min3A_59 : vector<128xf32> to vector<128xi32>
    %add3A_61 = arith.constant 128 : i32
    %add3A_62 = arith.addi %mul3A_7, %add3A_61 : i32
    %swap3A_63 = arith.index_cast %add3A_62 : i32 to index
    %swap3A_64 = vector.load %arg3[%swap3A_63] : memref<9216xi32, #tpu.memory_space<vmem>>, vector<128xi32>
    tpu.vector_store %arg3[%swap3A_63], %convert_element_type3A_60 {strides = array<i32>} : memref<9216xi32, #tpu.memory_space<vmem>>, vector<128xi32>,
    %reduce_sum3A_65 = vector.shape_cast %broadcast_in_dim3A_50 : vector<128x1xf32> to vector<1x128x1xf32>
    %reduce_sum3A_66 = arith.constant dense<0.000000e+00> : vector<1xf32>
    %reduce_sum3A_67 = vector.multi_reduction <add>, %reduce_sum3A_65, %reduce_sum3A_66 [1, 2] : vector<1x128x1xf32> to vector<1xf32>
    %reduce_sum3A_68 = vector.shape_cast %reduce_sum3A_67 : vector<1xf32> to vector<1x1x1xf32>
    %reduce_sum3A_69 = vector.extract %reduce_sum3A_68[0, 0, 0] : f32 from vector<1x1x1xf32>
    %add3A_70 = arith.addf %add3A_36, %reduce_sum3A_69 : f32
    %slice3A_71 = vector.extract_strided_slice %reshape3A {offsets = [256, 0], sizes = [128, 64], strides = [1, 1]} : vector<1152x64xf32> to vector<128x64xf32>
    %dot_general3A_72 = arith.constant dense<0.000000e+00> : vector<128x1024xf32>
    %dot_general3A_73 = tpu.matmul %slice3A_71, %mul3A_3, %dot_general3A_72 {dimension_numbers = #tpu.dot_dimension_numbers<[1], [0], [0], [1], [0, 0, 1, 1], [], []>, transpose_lhs_hint = false} : vector<128x64xf32>, vector<64x1024xf32>, vector<128x1024xf32> -> vector<128x1024xf32>
    %mul3A_74 = arith.mulf %slice3A_71, %slice3A_71 : vector<128x64xf32>
    %reduce_sum3A_75 = arith.constant dense<0.000000e+00> : vector<128xf32>
    %reduce_sum3A_76 = vector.multi_reduction <add>, %mul3A_74, %reduce_sum3A_75 [1] : vector<128x64xf32> to vector<128xf32>
    %broadcast_in_dim3A_77 = vector.shape_cast %reduce_sum3A_76 : vector<128xf32> to vector<128x1xf32>
    %add3A_78 = vector.broadcast %broadcast_in_dim3A_77 : vector<128x1xf32> to vector<128x1024xf32>
    %add3A_79 = arith.addf %add3A_78, %dot_general3A_73 : vector<128x1024xf32>
    %add3A_80 = vector.broadcast %broadcast_in_dim3A : vector<1x1024xf32> to vector<128x1024xf32>
    %add3A_81 = arith.addf %add3A_79, %add3A_80 : vector<128x1024xf32>
    %reduce_min3A_82 = arith.constant dense<0x7F800000> : vector<128xf32>
    %reduce_min3A_83 = vector.multi_reduction <minimumf>, %add3A_81, %reduce_min3A_82 [1] : vector<128x1024xf32> to vector<128xf32>
    %broadcast_in_dim3A_84 = vector.shape_cast %reduce_min3A_83 : vector<128xf32> to vector<128x1xf32>
    %iota3A_85 = tpu.iota {dimensions = array<i32: 1>} : vector<128x1024xi32>
    %convert_element_type3A_86 = arith.sitofp %iota3A_85 : vector<128x1024xi32> to vector<128x1024xf32>
    %eq3A_87 = vector.broadcast %broadcast_in_dim3A_84 : vector<128x1xf32> to vector<128x1024xf32>
    %eq3A_88 = arith.cmpf oeq, %add3A_81, %eq3A_87 : vector<128x1024xf32>
    %jit3A_89 = arith.constant 1.024000e+03 : f32
    %broadcast_in_dim3A_90 = vector.broadcast %jit3A_89 : f32 to vector<128x1024xf32>
    %select_n3A_91 = arith.select %eq3A_88, %convert_element_type3A_86, %broadcast_in_dim3A_90 : vector<128x1024xi1>, vector<128x1024xf32>
    %reduce_min3A_92 = arith.constant dense<0x7F800000> : vector<128xf32>
    %reduce_min3A_93 = vector.multi_reduction <minimumf>, %select_n3A_91, %reduce_min3A_92 [1] : vector<128x1024xf32> to vector<128xf32>
    %convert_element_type3A_94 = arith.fptosi %reduce_min3A_93 : vector<128xf32> to vector<128xi32>
    %add3A_95 = arith.constant 256 : i32
    %add3A_96 = arith.addi %mul3A_7, %add3A_95 : i32
    %swap3A_97 = arith.index_cast %add3A_96 : i32 to index
    %swap3A_98 = vector.load %arg3[%swap3A_97] : memref<9216xi32, #tpu.memory_space<vmem>>, vector<128xi32>
    tpu.vector_store %arg3[%swap3A_97], %convert_element_type3A_94 {strides = array<i32>} : memref<9216xi32, #tpu.memory_space<vmem>>, vector<128xi32>,
    %reduce_sum3A_99 = vector.shape_cast %broadcast_in_dim3A_84 : vector<128x1xf32> to vector<1x128x1xf32>
    %reduce_sum3A_100 = arith.constant dense<0.000000e+00> : vector<1xf32>
    %reduce_sum3A_101 = vector.multi_reduction <add>, %reduce_sum3A_99, %reduce_sum3A_100 [1, 2] : vector<1x128x1xf32> to vector<1xf32>
    %reduce_sum3A_102 = vector.shape_cast %reduce_sum3A_101 : vector<1xf32> to vector<1x1x1xf32>
    %reduce_sum3A_103 = vector.extract %reduce_sum3A_102[0, 0, 0] : f32 from vector<1x1x1xf32>
    %add3A_104 = arith.addf %add3A_70, %reduce_sum3A_103 : f32
    %slice3A_105 = vector.extract_strided_slice %reshape3A {offsets = [384, 0], sizes = [128, 64], strides = [1, 1]} : vector<1152x64xf32> to vector<128x64xf32>
    %dot_general3A_106 = arith.constant dense<0.000000e+00> : vector<128x1024xf32>
    %dot_general3A_107 = tpu.matmul %slice3A_105, %mul3A_3, %dot_general3A_106 {dimension_numbers = #tpu.dot_dimension_numbers<[1], [0], [0], [1], [0, 0, 1, 1], [], []>, transpose_lhs_hint = false} : vector<128x64xf32>, vector<64x1024xf32>, vector<128x1024xf32> -> vector<128x1024xf32>
    %mul3A_108 = arith.mulf %slice3A_105, %slice3A_105 : vector<128x64xf32>
    %reduce_sum3A_109 = arith.constant dense<0.000000e+00> : vector<128xf32>
    %reduce_sum3A_110 = vector.multi_reduction <add>, %mul3A_108, %reduce_sum3A_109 [1] : vector<128x64xf32> to vector<128xf32>
    %broadcast_in_dim3A_111 = vector.shape_cast %reduce_sum3A_110 : vector<128xf32> to vector<128x1xf32>
    %add3A_112 = vector.broadcast %broadcast_in_dim3A_111 : vector<128x1xf32> to vector<128x1024xf32>
    %add3A_113 = arith.addf %add3A_112, %dot_general3A_107 : vector<128x1024xf32>
    %add3A_114 = vector.broadcast %broadcast_in_dim3A : vector<1x1024xf32> to vector<128x1024xf32>
    %add3A_115 = arith.addf %add3A_113, %add3A_114 : vector<128x1024xf32>
    %reduce_min3A_116 = arith.constant dense<0x7F800000> : vector<128xf32>
    %reduce_min3A_117 = vector.multi_reduction <minimumf>, %add3A_115, %reduce_min3A_116 [1] : vector<128x1024xf32> to vector<128xf32>
    %broadcast_in_dim3A_118 = vector.shape_cast %reduce_min3A_117 : vector<128xf32> to vector<128x1xf32>
    %iota3A_119 = tpu.iota {dimensions = array<i32: 1>} : vector<128x1024xi32>
    %convert_element_type3A_120 = arith.sitofp %iota3A_119 : vector<128x1024xi32> to vector<128x1024xf32>
    %eq3A_121 = vector.broadcast %broadcast_in_dim3A_118 : vector<128x1xf32> to vector<128x1024xf32>
    %eq3A_122 = arith.cmpf oeq, %add3A_115, %eq3A_121 : vector<128x1024xf32>
    %jit3A_123 = arith.constant 1.024000e+03 : f32
    %broadcast_in_dim3A_124 = vector.broadcast %jit3A_123 : f32 to vector<128x1024xf32>
    %select_n3A_125 = arith.select %eq3A_122, %convert_element_type3A_120, %broadcast_in_dim3A_124 : vector<128x1024xi1>, vector<128x1024xf32>
    %reduce_min3A_126 = arith.constant dense<0x7F800000> : vector<128xf32>
    %reduce_min3A_127 = vector.multi_reduction <minimumf>, %select_n3A_125, %reduce_min3A_126 [1] : vector<128x1024xf32> to vector<128xf32>
    %convert_element_type3A_128 = arith.fptosi %reduce_min3A_127 : vector<128xf32> to vector<128xi32>
    %add3A_129 = arith.constant 384 : i32
    %add3A_130 = arith.addi %mul3A_7, %add3A_129 : i32
    %swap3A_131 = arith.index_cast %add3A_130 : i32 to index
    %swap3A_132 = vector.load %arg3[%swap3A_131] : memref<9216xi32, #tpu.memory_space<vmem>>, vector<128xi32>
    tpu.vector_store %arg3[%swap3A_131], %convert_element_type3A_128 {strides = array<i32>} : memref<9216xi32, #tpu.memory_space<vmem>>, vector<128xi32>,
    %reduce_sum3A_133 = vector.shape_cast %broadcast_in_dim3A_118 : vector<128x1xf32> to vector<1x128x1xf32>
    %reduce_sum3A_134 = arith.constant dense<0.000000e+00> : vector<1xf32>
    %reduce_sum3A_135 = vector.multi_reduction <add>, %reduce_sum3A_133, %reduce_sum3A_134 [1, 2] : vector<1x128x1xf32> to vector<1xf32>
    %reduce_sum3A_136 = vector.shape_cast %reduce_sum3A_135 : vector<1xf32> to vector<1x1x1xf32>
    %reduce_sum3A_137 = vector.extract %reduce_sum3A_136[0, 0, 0] : f32 from vector<1x1x1xf32>
    %add3A_138 = arith.addf %add3A_104, %reduce_sum3A_137 : f32
    %slice3A_139 = vector.extract_strided_slice %reshape3A {offsets = [512, 0], sizes = [128, 64], strides = [1, 1]} : vector<1152x64xf32> to vector<128x64xf32>
    %dot_general3A_140 = arith.constant dense<0.000000e+00> : vector<128x1024xf32>
    %dot_general3A_141 = tpu.matmul %slice3A_139, %mul3A_3, %dot_general3A_140 {dimension_numbers = #tpu.dot_dimension_numbers<[1], [0], [0], [1], [0, 0, 1, 1], [], []>, transpose_lhs_hint = false} : vector<128x64xf32>, vector<64x1024xf32>, vector<128x1024xf32> -> vector<128x1024xf32>
    %mul3A_142 = arith.mulf %slice3A_139, %slice3A_139 : vector<128x64xf32>
    %reduce_sum3A_143 = arith.constant dense<0.000000e+00> : vector<128xf32>
    %reduce_sum3A_144 = vector.multi_reduction <add>, %mul3A_142, %reduce_sum3A_143 [1] : vector<128x64xf32> to vector<128xf32>
    %broadcast_in_dim3A_145 = vector.shape_cast %reduce_sum3A_144 : vector<128xf32> to vector<128x1xf32>
    %add3A_146 = vector.broadcast %broadcast_in_dim3A_145 : vector<128x1xf32> to vector<128x1024xf32>
    %add3A_147 = arith.addf %add3A_146, %dot_general3A_141 : vector<128x1024xf32>
    %add3A_148 = vector.broadcast %broadcast_in_dim3A : vector<1x1024xf32> to vector<128x1024xf32>
    %add3A_149 = arith.addf %add3A_147, %add3A_148 : vector<128x1024xf32>
    %reduce_min3A_150 = arith.constant dense<0x7F800000> : vector<128xf32>
    %reduce_min3A_151 = vector.multi_reduction <minimumf>, %add3A_149, %reduce_min3A_150 [1] : vector<128x1024xf32> to vector<128xf32>
    %broadcast_in_dim3A_152 = vector.shape_cast %reduce_min3A_151 : vector<128xf32> to vector<128x1xf32>
    %iota3A_153 = tpu.iota {dimensions = array<i32: 1>} : vector<128x1024xi32>
    %convert_element_type3A_154 = arith.sitofp %iota3A_153 : vector<128x1024xi32> to vector<128x1024xf32>
    %eq3A_155 = vector.broadcast %broadcast_in_dim3A_152 : vector<128x1xf32> to vector<128x1024xf32>
    %eq3A_156 = arith.cmpf oeq, %add3A_149, %eq3A_155 : vector<128x1024xf32>
    %jit3A_157 = arith.constant 1.024000e+03 : f32
    %broadcast_in_dim3A_158 = vector.broadcast %jit3A_157 : f32 to vector<128x1024xf32>
    %select_n3A_159 = arith.select %eq3A_156, %convert_element_type3A_154, %broadcast_in_dim3A_158 : vector<128x1024xi1>, vector<128x1024xf32>
    %reduce_min3A_160 = arith.constant dense<0x7F800000> : vector<128xf32>
    %reduce_min3A_161 = vector.multi_reduction <minimumf>, %select_n3A_159, %reduce_min3A_160 [1] : vector<128x1024xf32> to vector<128xf32>
    %convert_element_type3A_162 = arith.fptosi %reduce_min3A_161 : vector<128xf32> to vector<128xi32>
    %add3A_163 = arith.constant 512 : i32
    %add3A_164 = arith.addi %mul3A_7, %add3A_163 : i32
    %swap3A_165 = arith.index_cast %add3A_164 : i32 to index
    %swap3A_166 = vector.load %arg3[%swap3A_165] : memref<9216xi32, #tpu.memory_space<vmem>>, vector<128xi32>
    tpu.vector_store %arg3[%swap3A_165], %convert_element_type3A_162 {strides = array<i32>} : memref<9216xi32, #tpu.memory_space<vmem>>, vector<128xi32>,
    %reduce_sum3A_167 = vector.shape_cast %broadcast_in_dim3A_152 : vector<128x1xf32> to vector<1x128x1xf32>
    %reduce_sum3A_168 = arith.constant dense<0.000000e+00> : vector<1xf32>
    %reduce_sum3A_169 = vector.multi_reduction <add>, %reduce_sum3A_167, %reduce_sum3A_168 [1, 2] : vector<1x128x1xf32> to vector<1xf32>
    %reduce_sum3A_170 = vector.shape_cast %reduce_sum3A_169 : vector<1xf32> to vector<1x1x1xf32>
    %reduce_sum3A_171 = vector.extract %reduce_sum3A_170[0, 0, 0] : f32 from vector<1x1x1xf32>
    %add3A_172 = arith.addf %add3A_138, %reduce_sum3A_171 : f32
    %slice3A_173 = vector.extract_strided_slice %reshape3A {offsets = [640, 0], sizes = [128, 64], strides = [1, 1]} : vector<1152x64xf32> to vector<128x64xf32>
    %dot_general3A_174 = arith.constant dense<0.000000e+00> : vector<128x1024xf32>
    %dot_general3A_175 = tpu.matmul %slice3A_173, %mul3A_3, %dot_general3A_174 {dimension_numbers = #tpu.dot_dimension_numbers<[1], [0], [0], [1], [0, 0, 1, 1], [], []>, transpose_lhs_hint = false} : vector<128x64xf32>, vector<64x1024xf32>, vector<128x1024xf32> -> vector<128x1024xf32>
    %mul3A_176 = arith.mulf %slice3A_173, %slice3A_173 : vector<128x64xf32>
    %reduce_sum3A_177 = arith.constant dense<0.000000e+00> : vector<128xf32>
    %reduce_sum3A_178 = vector.multi_reduction <add>, %mul3A_176, %reduce_sum3A_177 [1] : vector<128x64xf32> to vector<128xf32>
    %broadcast_in_dim3A_179 = vector.shape_cast %reduce_sum3A_178 : vector<128xf32> to vector<128x1xf32>
    %add3A_180 = vector.broadcast %broadcast_in_dim3A_179 : vector<128x1xf32> to vector<128x1024xf32>
    %add3A_181 = arith.addf %add3A_180, %dot_general3A_175 : vector<128x1024xf32>
    %add3A_182 = vector.broadcast %broadcast_in_dim3A : vector<1x1024xf32> to vector<128x1024xf32>
    %add3A_183 = arith.addf %add3A_181, %add3A_182 : vector<128x1024xf32>
    %reduce_min3A_184 = arith.constant dense<0x7F800000> : vector<128xf32>
    %reduce_min3A_185 = vector.multi_reduction <minimumf>, %add3A_183, %reduce_min3A_184 [1] : vector<128x1024xf32> to vector<128xf32>
    %broadcast_in_dim3A_186 = vector.shape_cast %reduce_min3A_185 : vector<128xf32> to vector<128x1xf32>
    %iota3A_187 = tpu.iota {dimensions = array<i32: 1>} : vector<128x1024xi32>
    %convert_element_type3A_188 = arith.sitofp %iota3A_187 : vector<128x1024xi32> to vector<128x1024xf32>
    %eq3A_189 = vector.broadcast %broadcast_in_dim3A_186 : vector<128x1xf32> to vector<128x1024xf32>
    %eq3A_190 = arith.cmpf oeq, %add3A_183, %eq3A_189 : vector<128x1024xf32>
    %jit3A_191 = arith.constant 1.024000e+03 : f32
    %broadcast_in_dim3A_192 = vector.broadcast %jit3A_191 : f32 to vector<128x1024xf32>
    %select_n3A_193 = arith.select %eq3A_190, %convert_element_type3A_188, %broadcast_in_dim3A_192 : vector<128x1024xi1>, vector<128x1024xf32>
    %reduce_min3A_194 = arith.constant dense<0x7F800000> : vector<128xf32>
    %reduce_min3A_195 = vector.multi_reduction <minimumf>, %select_n3A_193, %reduce_min3A_194 [1] : vector<128x1024xf32> to vector<128xf32>
    %convert_element_type3A_196 = arith.fptosi %reduce_min3A_195 : vector<128xf32> to vector<128xi32>
    %add3A_197 = arith.constant 640 : i32
    %add3A_198 = arith.addi %mul3A_7, %add3A_197 : i32
    %swap3A_199 = arith.index_cast %add3A_198 : i32 to index
    %swap3A_200 = vector.load %arg3[%swap3A_199] : memref<9216xi32, #tpu.memory_space<vmem>>, vector<128xi32>
    tpu.vector_store %arg3[%swap3A_199], %convert_element_type3A_196 {strides = array<i32>} : memref<9216xi32, #tpu.memory_space<vmem>>, vector<128xi32>,
    %reduce_sum3A_201 = vector.shape_cast %broadcast_in_dim3A_186 : vector<128x1xf32> to vector<1x128x1xf32>
    %reduce_sum3A_202 = arith.constant dense<0.000000e+00> : vector<1xf32>
    %reduce_sum3A_203 = vector.multi_reduction <add>, %reduce_sum3A_201, %reduce_sum3A_202 [1, 2] : vector<1x128x1xf32> to vector<1xf32>
    %reduce_sum3A_204 = vector.shape_cast %reduce_sum3A_203 : vector<1xf32> to vector<1x1x1xf32>
    %reduce_sum3A_205 = vector.extract %reduce_sum3A_204[0, 0, 0] : f32 from vector<1x1x1xf32>
    %add3A_206 = arith.addf %add3A_172, %reduce_sum3A_205 : f32
    %slice3A_207 = vector.extract_strided_slice %reshape3A {offsets = [768, 0], sizes = [128, 64], strides = [1, 1]} : vector<1152x64xf32> to vector<128x64xf32>
    %dot_general3A_208 = arith.constant dense<0.000000e+00> : vector<128x1024xf32>
    %dot_general3A_209 = tpu.matmul %slice3A_207, %mul3A_3, %dot_general3A_208 {dimension_numbers = #tpu.dot_dimension_numbers<[1], [0], [0], [1], [0, 0, 1, 1], [], []>, transpose_lhs_hint = false} : vector<128x64xf32>, vector<64x1024xf32>, vector<128x1024xf32> -> vector<128x1024xf32>
    %mul3A_210 = arith.mulf %slice3A_207, %slice3A_207 : vector<128x64xf32>
    %reduce_sum3A_211 = arith.constant dense<0.000000e+00> : vector<128xf32>
    %reduce_sum3A_212 = vector.multi_reduction <add>, %mul3A_210, %reduce_sum3A_211 [1] : vector<128x64xf32> to vector<128xf32>
    %broadcast_in_dim3A_213 = vector.shape_cast %reduce_sum3A_212 : vector<128xf32> to vector<128x1xf32>
    %add3A_214 = vector.broadcast %broadcast_in_dim3A_213 : vector<128x1xf32> to vector<128x1024xf32>
    %add3A_215 = arith.addf %add3A_214, %dot_general3A_209 : vector<128x1024xf32>
    %add3A_216 = vector.broadcast %broadcast_in_dim3A : vector<1x1024xf32> to vector<128x1024xf32>
    %add3A_217 = arith.addf %add3A_215, %add3A_216 : vector<128x1024xf32>
    %reduce_min3A_218 = arith.constant dense<0x7F800000> : vector<128xf32>
    %reduce_min3A_219 = vector.multi_reduction <minimumf>, %add3A_217, %reduce_min3A_218 [1] : vector<128x1024xf32> to vector<128xf32>
    %broadcast_in_dim3A_220 = vector.shape_cast %reduce_min3A_219 : vector<128xf32> to vector<128x1xf32>
    %iota3A_221 = tpu.iota {dimensions = array<i32: 1>} : vector<128x1024xi32>
    %convert_element_type3A_222 = arith.sitofp %iota3A_221 : vector<128x1024xi32> to vector<128x1024xf32>
    %eq3A_223 = vector.broadcast %broadcast_in_dim3A_220 : vector<128x1xf32> to vector<128x1024xf32>
    %eq3A_224 = arith.cmpf oeq, %add3A_217, %eq3A_223 : vector<128x1024xf32>
    %jit3A_225 = arith.constant 1.024000e+03 : f32
    %broadcast_in_dim3A_226 = vector.broadcast %jit3A_225 : f32 to vector<128x1024xf32>
    %select_n3A_227 = arith.select %eq3A_224, %convert_element_type3A_222, %broadcast_in_dim3A_226 : vector<128x1024xi1>, vector<128x1024xf32>
    %reduce_min3A_228 = arith.constant dense<0x7F800000> : vector<128xf32>
    %reduce_min3A_229 = vector.multi_reduction <minimumf>, %select_n3A_227, %reduce_min3A_228 [1] : vector<128x1024xf32> to vector<128xf32>
    %convert_element_type3A_230 = arith.fptosi %reduce_min3A_229 : vector<128xf32> to vector<128xi32>
    %add3A_231 = arith.constant 768 : i32
    %add3A_232 = arith.addi %mul3A_7, %add3A_231 : i32
    %swap3A_233 = arith.index_cast %add3A_232 : i32 to index
    %swap3A_234 = vector.load %arg3[%swap3A_233] : memref<9216xi32, #tpu.memory_space<vmem>>, vector<128xi32>
    tpu.vector_store %arg3[%swap3A_233], %convert_element_type3A_230 {strides = array<i32>} : memref<9216xi32, #tpu.memory_space<vmem>>, vector<128xi32>,
    %reduce_sum3A_235 = vector.shape_cast %broadcast_in_dim3A_220 : vector<128x1xf32> to vector<1x128x1xf32>
    %reduce_sum3A_236 = arith.constant dense<0.000000e+00> : vector<1xf32>
    %reduce_sum3A_237 = vector.multi_reduction <add>, %reduce_sum3A_235, %reduce_sum3A_236 [1, 2] : vector<1x128x1xf32> to vector<1xf32>
    %reduce_sum3A_238 = vector.shape_cast %reduce_sum3A_237 : vector<1xf32> to vector<1x1x1xf32>
    %reduce_sum3A_239 = vector.extract %reduce_sum3A_238[0, 0, 0] : f32 from vector<1x1x1xf32>
    %add3A_240 = arith.addf %add3A_206, %reduce_sum3A_239 : f32
    %slice3A_241 = vector.extract_strided_slice %reshape3A {offsets = [896, 0], sizes = [128, 64], strides = [1, 1]} : vector<1152x64xf32> to vector<128x64xf32>
    %dot_general3A_242 = arith.constant dense<0.000000e+00> : vector<128x1024xf32>
    %dot_general3A_243 = tpu.matmul %slice3A_241, %mul3A_3, %dot_general3A_242 {dimension_numbers = #tpu.dot_dimension_numbers<[1], [0], [0], [1], [0, 0, 1, 1], [], []>, transpose_lhs_hint = false} : vector<128x64xf32>, vector<64x1024xf32>, vector<128x1024xf32> -> vector<128x1024xf32>
    %mul3A_244 = arith.mulf %slice3A_241, %slice3A_241 : vector<128x64xf32>
    %reduce_sum3A_245 = arith.constant dense<0.000000e+00> : vector<128xf32>
    %reduce_sum3A_246 = vector.multi_reduction <add>, %mul3A_244, %reduce_sum3A_245 [1] : vector<128x64xf32> to vector<128xf32>
    %broadcast_in_dim3A_247 = vector.shape_cast %reduce_sum3A_246 : vector<128xf32> to vector<128x1xf32>
    %add3A_248 = vector.broadcast %broadcast_in_dim3A_247 : vector<128x1xf32> to vector<128x1024xf32>
    %add3A_249 = arith.addf %add3A_248, %dot_general3A_243 : vector<128x1024xf32>
    %add3A_250 = vector.broadcast %broadcast_in_dim3A : vector<1x1024xf32> to vector<128x1024xf32>
    %add3A_251 = arith.addf %add3A_249, %add3A_250 : vector<128x1024xf32>
    %reduce_min3A_252 = arith.constant dense<0x7F800000> : vector<128xf32>
    %reduce_min3A_253 = vector.multi_reduction <minimumf>, %add3A_251, %reduce_min3A_252 [1] : vector<128x1024xf32> to vector<128xf32>
    %broadcast_in_dim3A_254 = vector.shape_cast %reduce_min3A_253 : vector<128xf32> to vector<128x1xf32>
    %iota3A_255 = tpu.iota {dimensions = array<i32: 1>} : vector<128x1024xi32>
    %convert_element_type3A_256 = arith.sitofp %iota3A_255 : vector<128x1024xi32> to vector<128x1024xf32>
    %eq3A_257 = vector.broadcast %broadcast_in_dim3A_254 : vector<128x1xf32> to vector<128x1024xf32>
    %eq3A_258 = arith.cmpf oeq, %add3A_251, %eq3A_257 : vector<128x1024xf32>
    %jit3A_259 = arith.constant 1.024000e+03 : f32
    %broadcast_in_dim3A_260 = vector.broadcast %jit3A_259 : f32 to vector<128x1024xf32>
    %select_n3A_261 = arith.select %eq3A_258, %convert_element_type3A_256, %broadcast_in_dim3A_260 : vector<128x1024xi1>, vector<128x1024xf32>
    %reduce_min3A_262 = arith.constant dense<0x7F800000> : vector<128xf32>
    %reduce_min3A_263 = vector.multi_reduction <minimumf>, %select_n3A_261, %reduce_min3A_262 [1] : vector<128x1024xf32> to vector<128xf32>
    %convert_element_type3A_264 = arith.fptosi %reduce_min3A_263 : vector<128xf32> to vector<128xi32>
    %add3A_265 = arith.constant 896 : i32
    %add3A_266 = arith.addi %mul3A_7, %add3A_265 : i32
    %swap3A_267 = arith.index_cast %add3A_266 : i32 to index
    %swap3A_268 = vector.load %arg3[%swap3A_267] : memref<9216xi32, #tpu.memory_space<vmem>>, vector<128xi32>
    tpu.vector_store %arg3[%swap3A_267], %convert_element_type3A_264 {strides = array<i32>} : memref<9216xi32, #tpu.memory_space<vmem>>, vector<128xi32>,
    %reduce_sum3A_269 = vector.shape_cast %broadcast_in_dim3A_254 : vector<128x1xf32> to vector<1x128x1xf32>
    %reduce_sum3A_270 = arith.constant dense<0.000000e+00> : vector<1xf32>
    %reduce_sum3A_271 = vector.multi_reduction <add>, %reduce_sum3A_269, %reduce_sum3A_270 [1, 2] : vector<1x128x1xf32> to vector<1xf32>
    %reduce_sum3A_272 = vector.shape_cast %reduce_sum3A_271 : vector<1xf32> to vector<1x1x1xf32>
    %reduce_sum3A_273 = vector.extract %reduce_sum3A_272[0, 0, 0] : f32 from vector<1x1x1xf32>
    %add3A_274 = arith.addf %add3A_240, %reduce_sum3A_273 : f32
    %slice3A_275 = vector.extract_strided_slice %reshape3A {offsets = [1024, 0], sizes = [128, 64], strides = [1, 1]} : vector<1152x64xf32> to vector<128x64xf32>
    %dot_general3A_276 = arith.constant dense<0.000000e+00> : vector<128x1024xf32>
    %dot_general3A_277 = tpu.matmul %slice3A_275, %mul3A_3, %dot_general3A_276 {dimension_numbers = #tpu.dot_dimension_numbers<[1], [0], [0], [1], [0, 0, 1, 1], [], []>, transpose_lhs_hint = false} : vector<128x64xf32>, vector<64x1024xf32>, vector<128x1024xf32> -> vector<128x1024xf32>
    %mul3A_278 = arith.mulf %slice3A_275, %slice3A_275 : vector<128x64xf32>
    %reduce_sum3A_279 = arith.constant dense<0.000000e+00> : vector<128xf32>
    %reduce_sum3A_280 = vector.multi_reduction <add>, %mul3A_278, %reduce_sum3A_279 [1] : vector<128x64xf32> to vector<128xf32>
    %broadcast_in_dim3A_281 = vector.shape_cast %reduce_sum3A_280 : vector<128xf32> to vector<128x1xf32>
    %add3A_282 = vector.broadcast %broadcast_in_dim3A_281 : vector<128x1xf32> to vector<128x1024xf32>
    %add3A_283 = arith.addf %add3A_282, %dot_general3A_277 : vector<128x1024xf32>
    %add3A_284 = vector.broadcast %broadcast_in_dim3A : vector<1x1024xf32> to vector<128x1024xf32>
    %add3A_285 = arith.addf %add3A_283, %add3A_284 : vector<128x1024xf32>
    %reduce_min3A_286 = arith.constant dense<0x7F800000> : vector<128xf32>
    %reduce_min3A_287 = vector.multi_reduction <minimumf>, %add3A_285, %reduce_min3A_286 [1] : vector<128x1024xf32> to vector<128xf32>
    %broadcast_in_dim3A_288 = vector.shape_cast %reduce_min3A_287 : vector<128xf32> to vector<128x1xf32>
    %iota3A_289 = tpu.iota {dimensions = array<i32: 1>} : vector<128x1024xi32>
    %convert_element_type3A_290 = arith.sitofp %iota3A_289 : vector<128x1024xi32> to vector<128x1024xf32>
    %eq3A_291 = vector.broadcast %broadcast_in_dim3A_288 : vector<128x1xf32> to vector<128x1024xf32>
    %eq3A_292 = arith.cmpf oeq, %add3A_285, %eq3A_291 : vector<128x1024xf32>
    %jit3A_293 = arith.constant 1.024000e+03 : f32
    %broadcast_in_dim3A_294 = vector.broadcast %jit3A_293 : f32 to vector<128x1024xf32>
    %select_n3A_295 = arith.select %eq3A_292, %convert_element_type3A_290, %broadcast_in_dim3A_294 : vector<128x1024xi1>, vector<128x1024xf32>
    %reduce_min3A_296 = arith.constant dense<0x7F800000> : vector<128xf32>
    %reduce_min3A_297 = vector.multi_reduction <minimumf>, %select_n3A_295, %reduce_min3A_296 [1] : vector<128x1024xf32> to vector<128xf32>
    %convert_element_type3A_298 = arith.fptosi %reduce_min3A_297 : vector<128xf32> to vector<128xi32>
    %add3A_299 = arith.constant 1024 : i32
    %add3A_300 = arith.addi %mul3A_7, %add3A_299 : i32
    %swap3A_301 = arith.index_cast %add3A_300 : i32 to index
    %swap3A_302 = vector.load %arg3[%swap3A_301] : memref<9216xi32, #tpu.memory_space<vmem>>, vector<128xi32>
    tpu.vector_store %arg3[%swap3A_301], %convert_element_type3A_298 {strides = array<i32>} : memref<9216xi32, #tpu.memory_space<vmem>>, vector<128xi32>,
    %reduce_sum3A_303 = vector.shape_cast %broadcast_in_dim3A_288 : vector<128x1xf32> to vector<1x128x1xf32>
    %reduce_sum3A_304 = arith.constant dense<0.000000e+00> : vector<1xf32>
    %reduce_sum3A_305 = vector.multi_reduction <add>, %reduce_sum3A_303, %reduce_sum3A_304 [1, 2] : vector<1x128x1xf32> to vector<1xf32>
    %reduce_sum3A_306 = vector.shape_cast %reduce_sum3A_305 : vector<1xf32> to vector<1x1x1xf32>
    %reduce_sum3A_307 = vector.extract %reduce_sum3A_306[0, 0, 0] : f32 from vector<1x1x1xf32>
    %add3A_308 = arith.addf %add3A_274, %reduce_sum3A_307 : f32
    %eq3A_309 = arith.constant 0 : i32
    %eq3A_310 = arith.cmpi eq, %arg0, %eq3A_309 : i32
    %convert_element_type3A_311 = arith.extui %eq3A_310 : i1 to i32
    %cond3A = arith.constant 0 : i32
    %cond3A_312 = arith.cmpi ne, %convert_element_type3A_311, %cond3A : i32
    scf.if %cond3A_312 {
      %swap3A_325 = arith.constant 0.000000e+00 : f32
      %swap3A_326 = arith.constant 0 : index
      %swap3A_327 = arith.constant 0 : index
      %swap3A_328 = memref.load %arg4[%swap3A_326, %swap3A_327] : memref<1x1xf32, #tpu.memory_space<smem>>
      memref.store %swap3A_325, %arg4[%swap3A_326, %swap3A_327] : memref<1x1xf32, #tpu.memory_space<smem>>
    } else {
    }
    %get3A_313 = arith.constant 0 : index
    %get3A_314 = arith.constant 0 : index
    %get3A_315 = memref.load %arg4[%get3A_313, %get3A_314] : memref<1x1xf32, #tpu.memory_space<smem>>
    %add3A_316 = arith.addf %get3A_315, %add3A_308 : f32
    %swap3A_317 = arith.constant 0 : index
    %swap3A_318 = arith.constant 0 : index
    %swap3A_319 = memref.load %arg4[%swap3A_317, %swap3A_318] : memref<1x1xf32, #tpu.memory_space<smem>>
    memref.store %add3A_316, %arg4[%swap3A_317, %swap3A_318] : memref<1x1xf32, #tpu.memory_space<smem>>
    %eq3A_320 = arith.constant 7 : i32
    %eq3A_321 = arith.cmpi eq, %arg0, %eq3A_320 : i32
    %convert_element_type3A_322 = arith.extui %eq3A_321 : i1 to i32
    %cond3A_323 = arith.constant 0 : i32
    %cond3A_324 = arith.cmpi ne, %convert_element_type3A_322, %cond3A_323 : i32
    scf.if %cond3A_324 {
      %get3A_325 = arith.constant 0 : index
      %get3A_326 = arith.constant 0 : index
      %get3A_327 = memref.load %arg4[%get3A_325, %get3A_326] : memref<1x1xf32, #tpu.memory_space<smem>>
      %mul3A_328 = arith.constant 1.69542102E-6 : f32
      %mul3A_329 = arith.mulf %get3A_327, %mul3A_328 : f32
      %swap3A_330 = arith.constant 0 : index
      %swap3A_331 = arith.constant 0 : index
      %swap3A_332 = memref.load %arg4[%swap3A_330, %swap3A_331] : memref<1x1xf32, #tpu.memory_space<smem>>
      memref.store %mul3A_329, %arg4[%swap3A_330, %swap3A_331] : memref<1x1xf32, #tpu.memory_space<smem>>
    } else {
    }
    return
  }
  func.func @transform_0(%arg0: i32) -> (i32, i32, i32) {
    %c0_i32 = arith.constant 0 : i32
    %c0_i32_0 = arith.constant 0 : i32
    %c0_i32_1 = arith.constant 0 : i32
    return %arg0, %c0_i32, %c0_i32_0 : i32, i32, i32
  }
  func.func @transform_1(%arg0: i32) -> (i32, i32) {
    %c0_i32 = arith.constant 0 : i32
    %c0_i32_0 = arith.constant 0 : i32
    %c0_i32_1 = arith.constant 0 : i32
    return %c0_i32, %c0_i32_0 : i32, i32
  }
  func.func @transform_2(%arg0: i32) -> i32 {
    %c0_i32 = arith.constant 0 : i32
    %c0_i32_0 = arith.constant 0 : i32
    return %c0_i32 : i32
  }
  func.func @transform_3(%arg0: i32) -> (i32, i32) {
    %c0_i32 = arith.constant 0 : i32
    %c0_i32_0 = arith.constant 0 : i32
    %c0_i32_1 = arith.constant 0 : i32
    return %c0_i32, %c0_i32_0 : i32, i32
  }
}

</mosaic_0001>

<sc_bundles>
// kernel: kernel.4.cloned.1.call-start
scs
__scs_entry_jumppad:
0x0: {  	(pc) =	sbr.rel $0x88, $3  }
0x1: {  	(tag) =	ssettag $0x0;
	lr =	simm.s32 $0x1  }
0x2: {  	[smem:$0x3F9F] =	sst lr;
	_ =	strace $0xD0000000  }
0x3: {  	_ = 	snop  }
0x4: {  	_ = 	snop  }
0x5: {  	_ = 	snop  }
0x6: {  	_ = 	snop  }
0x7: {  	_ = 	snop  }
__scs_overlays_trampoline_lowered:
0x8: {  	[smem:$0x3FAE] =	sst s0  }
0x9: {  	[smem:$0x3FAF] =	sst s1  }
0xa: {  	[smem:$0x3FB0] =	sst s2  }
0xb: {  	[smem:$0x3FB1] =	sst s3  }
0xc: {  	[smem:$0x3FB2] =	sst s4  }
0xd: {  	[smem:$0x3FB3] =	sst s5  }
0xe: {  	[smem:$0x3FB4] =	sst s6  }
0xf: {  	[smem:$0x3FB5] =	sst s7  }
0x10: {  	[smem:$0x3FB6] =	sst s8  }
0x11: {  	[smem:$0x3FB7] =	sst s9;
	s0 =	simm.s32 @!p0 $0x0  }
0x12: {  	s1 =	sld [smem:$0x3F9D];
	s0 =	simm.s32 @p0 $0x1  }
0x13: {  	[smem:$0x3FB8] =	sst s0;
	s0 =	simm.s32 @!p1 $0x0  }
0x14: {  	s2 =	sld [smem:$0x3F9C];
	s0 =	simm.s32 @p1 $0x1  }
0x15: {  	[smem:$0x3FB9] =	sst s0;
	s0 =	simm.s32 @!p2 $0x0  }
0x16: {  	s3 =	sld [smem:$0x3FDB];
	s0 =	simm.s32 @p2 $0x1  }
0x17: {  	s4 =	simm.s32 $0x1BF5;
	[smem:$0x3FBB] =	sst s0  }
0x18: {  	s0 =	sld [smem:$0x3F9E];
	_ =	swait.ge [sflag:s4], $0x0  }
0x19: {  	s7 =	sld [smem:$0x3F9F]  }
0x1a: {  	s8 =	sadd.s32 $0xFFFFE003, lr  }
0x1b: {  	s9 =	sadd.s32 $0xFFFFFEF7, lr;
	s5 =	simm.s32 $0xFFFFFFFF;
	p2 =	slt.u32 s8, $0xFFFFF086  }
0x1c: {  	p1 =	slt.u32 s9, $0xF7A;
	s5 =	simm.s32 @!p2 $0x0  }
0x1d: {  	s5 =	simm.s32 @p1 $0x1;
	p0 =	seq.s32 s7, s2  }
0x1e: {  	s7 =	smul.u32 @!p0 $0xF7A, s2;
	p2 =	seq.s32 @!p0 s5, $0x0  }
0x1f: {  	s9 =	smul.u32 $0xF7A, s1;
	s8 =	simm.s32 @!p0 $0x1BF5;
	p2 =	por !p2, p0  }
0x20: {  	[sflag:s8] =	ssyncset.s32 @!p0 $0xFFFFF086;
	s6 =	sadd.s32 @!p0 s3, s7;
	s7 =	simm.s32 @!p0 $0x108  }
0x21: {  	s3 =	sadd.s32 s3, s9;
	s6 =	sadd.s32 @!p0 $0x88, s6;
	s7 =	simm.s32 @p2 $0x1082  }
0x22: {  	[simem:s7], [sflag:s8] =	dma.local @!p0 [hbm:s6], $0xF7A  }
0x23: {  	s9 =	sor.u32 $0xD0000000, s2;
	s6 =	simm.s32 $0x108;
	_ =	swait.ge @!p0 [sflag:s8], $0x0  }
0x24: {  	s3 =	sadd.s32 $0x88, s3;
	s6 =	simm.s32 @!p1 $0x1082;
	[sflag:s4] =	ssyncset.s32 $0xFFFFF086  }
0x25: {  	[simem:s6], [sflag:s4] =	dma.local [hbm:s3], $0xF7A  }
0x26: {  	[smem:$0x3F9F] =	sst s1;
	(tag) =	ssettag s2;
	_ =	strace s9  }
0x27: {  	s1 =	sld [smem:$0x3FAF]  }
0x28: {  	s2 =	sld [smem:$0x3FB0]  }
0x29: {  	s4 =	sld [smem:$0x3FB2]  }
0x2a: {  	p0 =	seq.s32 s5, $0x0;
	s5 =	sld [smem:$0x3FB3]  }
0x2b: {  	s6 =	sld [smem:$0x3FB4]  }
0x2c: {  	s7 =	sld [smem:$0x3FB5]  }
0x2d: {  	s3 =	simm.s32 $0x108;
	s8 =	sld [smem:$0x3FB6]  }
0x2e: {  	s3 =	simm.s32 @!p0 $0x1082;
	s9 =	sld [smem:$0x3FB7]  }
0x2f: {  	lr =	sadd.s32 s0, s3;
	s0 =	sld [smem:$0x3FAE]  }
0x30: {  	s3 =	sld [smem:$0x3FB1]  }
0x31: {  	[smem:$0x3FBA] =	sst s10  }
0x32: {  	s10 =	sld [smem:$0x3FB8];
	_ =	sdelay $0x3  }
0x33: {  	p0 =	seq.s32 s10, $0x1;
	s10 =	sld [smem:$0x3FBA];
	_ =	sdelay $0x3  }
0x34: {  	[smem:$0x3FBA] =	sst s10  }
0x35: {  	s10 =	sld [smem:$0x3FB9];
	_ =	sdelay $0x3  }
0x36: {  	p1 =	seq.s32 s10, $0x1;
	s10 =	sld [smem:$0x3FBA];
	_ =	sdelay $0x3  }
0x37: {  	[smem:$0x3FBA] =	sst s10  }
0x38: {  	s10 =	sld [smem:$0x3FBB]  }
0x39: {  	_ = 	snop;
	(pc) =	sbr.ind lr, $3  }
0x3a: {  	_ = 	snop  }
0x3b: {  	_ = 	snop  }
0x3c: {  	p2 =	seq.s32 s10, $0x1;
	s10 =	sld [smem:$0x3FBA]  }
0x3d: {  	_ =	shalt  }
0x3e: {  	_ =	shalt  }
0x3f: {  	_ =	shalt  }
0x40: {  	_ =	shalt  }
0x41: {  	_ =	shalt  }
0x42: {  	_ =	shalt  }
0x43: {  	_ =	shalt  }
0x44: {  	_ =	shalt  }
0x45: {  	_ =	shalt  }
0x46: {  	_ =	shalt  }
0x47: {  	_ =	shalt  }
0x48: {  	_ =	shalt  }
0x49: {  	_ =	shalt  }
0x4a: {  	_ =	shalt  }
0x4b: {  	_ =	shalt  }
0x4c: {  	_ =	shalt  }
0x4d: {  	_ =	shalt  }
0x4e: {  	_ =	shalt  }
0x4f: {  	_ =	shalt  }
0x50: {  	_ =	shalt  }
0x51: {  	_ =	shalt  }
0x52: {  	_ =	shalt  }
0x53: {  	_ =	shalt  }
0x54: {  	_ =	shalt  }
0x55: {  	_ =	shalt  }
0x56: {  	_ =	shalt  }
0x57: {  	_ =	shalt  }
0x58: {  	_ =	shalt  }
0x59: {  	_ =	shalt  }
0x5a: {  	_ =	shalt  }
0x5b: {  	_ =	shalt  }
0x5c: {  	_ =	shalt  }
0x5d: {  	_ =	shalt  }
0x5e: {  	_ =	shalt  }
0x5f: {  	_ =	shalt  }
0x60: {  	_ =	shalt  }
0x61: {  	_ =	shalt  }
0x62: {  	_ =	shalt  }
0x63: {  	_ =	shalt  }
0x64: {  	_ =	shalt  }
0x65: {  	_ =	shalt  }
0x66: {  	_ =	shalt  }
0x67: {  	_ =	shalt  }
0x68: {  	_ =	shalt  }
0x69: {  	_ =	shalt  }
0x6a: {  	_ =	shalt  }
0x6b: {  	_ =	shalt  }
0x6c: {  	_ =	shalt  }
0x6d: {  	_ =	shalt  }
0x6e: {  	_ =	shalt  }
0x6f: {  	_ =	shalt  }
0x70: {  	_ =	shalt  }
0x71: {  	_ =	shalt  }
0x72: {  	_ =	shalt  }
0x73: {  	_ =	shalt  }
0x74: {  	_ =	shalt  }
0x75: {  	_ =	shalt  }
0x76: {  	_ =	shalt  }
0x77: {  	_ =	shalt  }
0x78: {  	_ =	shalt  }
0x79: {  	_ =	shalt  }
0x7a: {  	_ =	shalt  }
0x7b: {  	_ =	shalt  }
0x7c: {  	_ =	shalt  }
0x7d: {  	_ =	shalt  }
0x7e: {  	_ =	shalt  }
0x7f: {  	_ =	shalt  }
0x80: {  	_ =	shalt  }
0x81: {  	_ =	shalt  }
0x82: {  	_ =	shalt  }
0x83: {  	_ =	shalt  }
0x84: {  	_ =	shalt  }
0x85: {  	_ =	shalt  }
0x86: {  	_ =	shalt  }
0x87: {  	_ =	shalt  }
.Lfunc_end0:
.L_simem_size_0:
called_computation_lowered:
.L_overlay_start_0:
0x88: {  	s2 =	sld [smem:$0x3FD9]  }
0x89: {  	s3 =	sld [smem:$0x3FFE];
	_ =	sdelay $0x1  }
0x8a: {  	s1 =	srdreg.scid  }
0x8b: {  	s0 =	sand.u32 $0x1, s1  }
0x8c: {  	s14 =	sshll.u32 s0, $0xA;
	s2 =	sadd.s32 s3, s2  }
0x8d: {  	s2 =	sadd.s32 s2, s14  }
0x8e: {  	[smem:$0x3FC6] =	sst s2  }
0x8f: {  	_ = 	snop  }
0x90: {  	s2 =	sld [smem:$0x3FD0];
	_ =	sdelay $0x2  }
0x91: {  	s15 =	simm.s32 $0xA;
	s4 =	simm.s32 $0x10  }
0x92: {  	[smem:s4], [sflag:s15] =	dma.local [hbm:s2], $0x1  }
0x93: {  	_ =	swait.eq [sflag:s15], $0x1  }
0x94: {  	[sflag:s15] =	ssyncset.done $0x0  }
0x95: {  	[sflag:s15] =	ssyncadd.s32 $0xFFFFFFFF  }
0x96: {  	s16 =	sld [smem:$0x10];
	(tm) =	ssettm $0x1  }
0x97: {  	s17 =	sld [smem:$0x3FFB];
	_ =	sdelay $0x3  }
0x98: {  	_ =	strace s17  }
0x99: {  	s3 =	sld [smem:$0x3FFC];
	_ =	sdelay $0x3  }
0x9a: {  	_ =	strace s3  }
0x9b: {  	s3 =	sld [smem:$0x3FFD];
	_ =	sdelay $0x3  }
0x9c: {  	_ =	strace s3  }
0x9d: {  	_ =	strace $0x8FFFFFFF  }
0x9e: {  	s18 =	sld [smem:$0x3FDB];
	_ =	sdelay $0x1  }
0x9f: {  	s19 =	simm.s32 $_scs_section_size  }
0xa0: {  	s5 =	simm.s32 $_size__tile_overlayer_lowered;
	s6 =	simm.s32 $_tile_overlayer_lowered  }
0xa1: {  	s22 =	simm.s32 $0x1BFF;
	s21 =	sshll.u32 s6, $0x1;
	s3 =	sadd.s32 s19, s18  }
0xa2: {  	s7 =	simm.s32 $0x0;
	s20 =	sshll.u32 s5, $0x1;
	s5 =	sadd.s32 s21, s3  }
0xa3: {  	[timem:s7], [sflag:s22] =	dma.local [hbm:s5], s20  }
0xa4: {  	_ =	swait.ge [sflag:s22], s20  }
0xa5: {  	s4 =	ssub.s32 $0x0, s20;
	[sflag:s22] =	ssyncset.done $0x0  }
0xa6: {  	[sflag:s22] =	ssyncadd.s32 s4;
	_ =	sdelay $0x1  }
0xa7: {  	s23 =	simm.s32 $0x1B8B  }
0xa8: {  	_ =	swait.ge [sflag:s23], $0x1  }
0xa9: {  	[sflag:s23] =	ssyncset.done $0x0  }
0xaa: {  	s25 =	simm.s32 $0x1B8E;
	s24 =	sld [smem:$0x3FFE];
	[sflag:s23] =	ssyncadd.s32 $0xFFFFFFFF  }
0xab: {  	s26 =	simm.s32 $execute0_lowered;
	[smem:$0x3FD2] =	sst s25  }
0xac: {  	s5 =	sshll.u32 s26, $0x1;
	_ =	strace $0x80000046;
	[dreg:$0x1] =	wrdreg $0xFFFFFFFF  }
0xad: {  	s28 =	simm.s32 $_size_execute0_lowered;
	s3 =	sadd.s32 s3, s5;
	[dreg:$0x0] =	wrdreg $0x0  }
0xae: {  	s5 =	sshll.u32 s28, $0x1;
	[dreg:$0x2] =	wrdreg s3  }
0xaf: {  	[dreg:$0x3] =	wrdreg s5  }
0xb0: {  	[dreg:$0x4] =	wrdreg $0xC0  }
0xb1: {  	_ =	task [dreg:s7], $0x5FFFF  }
0xb2: {  	[dreg:$0x1] =	wrdreg $0xFFFFFFFF  }
0xb3: {  	[dreg:$0x0] =	wrdreg $0x60  }
0xb4: {  	[dreg:$0x2] =	wrdreg s24  }
0xb5: {  	[dreg:$0x3] =	wrdreg s16  }
0xb6: {  	[dreg:$0x4] =	wrdreg $0x9  }
0xb7: {  	_ =	task.clear_ibuf [dreg:s7], $0x5FFFF;
	_ =	strace $0x90000046  }
0xb8: {  	s29 =	simm.s32 $0x9;
	_ =	strace $0x80000048  }
0xb9: {  	_ =	swait.ge [sflag:s29], $0x1  }
0xba: {  	[sflag:s29] =	ssyncadd.s32 $0xFFFFFFFF  }
0xbb: {  	_ =	strace $0x90000048  }
0xbc: {  	_ =	sfence  }
0xbd: {  	s30 =	sld [smem:$0x0];
	_ =	sdelay $0x2  }
0xbe: {  	s31 =	sshll.u32 s1, $0xD;
	s1 =	sshrl.u32 s1, $0x2  }
0xbf: {  	s3 =	sand.u32 $0x4000, s31;
	s1 =	sadd.s32 s1, s30  }
0xc0: {  	s0 =	sor.u32 s3, s0;
	s1 =	sshll.u32 s1, $0x11  }
0xc1: {  	s0 =	sor.u32 s1, s0  }
0xc2: {  	s0 =	sadd.s32 $0x8F2B, s0  }
0xc3: {  	[sflag:s0] =	ssyncadd.remote.s32 $0x1  }
0xc4: {  	_ =	sfence.sel $0xFFFF  }
0xc5: {  	[dreg:$0x0] =	wrdreg $0xFFFFFFFF;
	(pc) =	sbr.abs _section_cstart, $3  }
0xc6: {  	[dreg:$0x1] =	wrdreg $0xFFFFFFFF  }
0xc7: {  	_ =	task.clear_ibuf [dreg:s7], $0x2FFFF;
	_ =	strace $0x9FFFFFFF  }
0xc8: {  	(tm) =	ssettm $0x7FFFFFFF  }
0xc9: {  	_ =	shalt  }
tec
execute0_lowered:
.L_overlay_start_1:
0x0: {  	(tag) =	ssettag $0x1  }
0x1: {  	s1 =	srdreg.scid;
	s0 =	stileid.u32  }
0x2: {  	s4 =	rddreg [dreg:$0x0];
	s16 =	sand.u32 $0x1, s1;
	s31 =	sshll.u32 s0, $0x1  }
0x3: {  	s14 =	rddreg [dreg:$0x1];
	s2 =	simm.s32 $0x0;
	s5 =	sor.u32 s16, s31  }
0x4: {  	s12 =	simm.s32 $0x4800;
	s1 =	rddreg [dreg:$0x2];
	s6 =	smul.u32 $0x24, s5  }
0x5: {  	s9 =	simm.s32 $0x1;
	[smem:$0x7FF] =	sst s2;
	s3 =	sadd.s32 $0x1200, s4  }
0x6: {  	_ =	strace $0x80000047;
	p0 =	seq.s32 s16, $0x1;
	s4 =	sadd.s32 s6, s4  }
0x7: {  	p1 =	seq.s32 s5, $0x0;
	s5 =	simm.s32 $0x3;
	s4 =	sadd.s32 $0xC00, s4  }
0x8: {  	[tilespmem:s2], [sflag:$0x3] =	stream.linear.gather [hbm4b:s4+s2], $0x120, $0x38;
	[tilespmem:$0x4920] =	vst v63  }
0x9: {  	s7 =	simm.s32 $0x120;
	p1 =	por !p1, !p0;
	_ =	swait.ge [sflag:s5], $0x120  }
0xa: {  	s8 =	simm.s32 $0x1;
	p1 =	por !p1, !p1;
	[sflag:s5] =	ssyncset.done $0x0  }
0xb: {  	s6 =	simm.s32 $0x60;
	s9 =	simm.s32 @!p1 $0x0;
	[sflag:s5] =	ssyncadd.s32 $0xFFFFFEE0  }
0xc: {  	[tilespmem:s7], [sflag:$0x1] =	stream.indirect.gather [hbm4b:s3+s6], $0x40, s2, s6, $0xb8;
	[tilespmem:$0x4920] =	vst v63  }
0xd: {  	s11 =	simm.s32 $0x3120;
	s10 =	ssub.s32 s0, s9;
	s9 =	simm.s32 $0x1920  }
0xe: {  	[tilespmem:s9], [sflag:$0x1] =	stream.indirect.gather [hbm4b:s3+s6], $0x40, s6, s6, $0xb8;
	[tilespmem:$0x4920] =	vst v63  }
0xf: {  	s12 =	simm.s32 @!p0 $0x0;
	s13 =	smul.u32 $0x9000, s10;
	s10 =	simm.s32 $0xC0  }
0x10: {  	[tilespmem:s11], [sflag:$0x1] =	stream.indirect.gather [hbm4b:s3+s6], $0x40, s10, s6, $0xb8;
	[tilespmem:$0x4920] =	vst v63  }
0x11: {  	s15 =	sadd.s32 s12, s13;
	_ =	swait.ge [sflag:s8], $0x1800  }
0x12: {  	s12 =	sshrl.u32 s15, $0x3;
	[sflag:s8] =	ssyncset.done $0x0  }
0x13: {  	s12 =	sadd.s32 s14, s12;
	[sflag:s8] =	ssyncadd.s32 $0xFFFFE800  }
0x14: {  	[hbm4b:s12+s2] =	stream.linear.scatter [tilespmem:s7], [sflag:$0x2], $0x1800, $0x38;
	[tilespmem:$0x4920] =	vst v63  }
0x15: {  	s13 =	sadd.s32 $0x1800, s15;
	_ =	swait.ge [sflag:s8], $0x1800  }
0x16: {  	s13 =	sshrl.u32 s13, $0x3;
	[sflag:s8] =	ssyncset.done $0x0  }
0x17: {  	s13 =	sadd.s32 s14, s13;
	[sflag:s8] =	ssyncadd.s32 $0xFFFFE800  }
0x18: {  	[hbm4b:s13+s2] =	stream.linear.scatter [tilespmem:s9], [sflag:$0x2], $0x1800, $0x38;
	[tilespmem:$0x4920] =	vst v63  }
0x19: {  	s16 =	ssub.s32 $0x2, s16;
	s15 =	sadd.s32 $0x3000, s15;
	_ =	swait.ge [sflag:s8], $0x1800  }
0x1a: {  	s17 =	sshrl.u32 s16, $0x1;
	s15 =	sshrl.u32 s15, $0x3;
	[sflag:s8] =	ssyncset.done $0x0  }
0x1b: {  	s15 =	sadd.s32 s14, s15;
	s14 =	simm.s32 $0x2;
	[sflag:s8] =	ssyncadd.s32 $0xFFFFE800  }
0x1c: {  	[hbm4b:s15+s2] =	stream.linear.scatter [tilespmem:s11], [sflag:$0x2], $0x1800, $0x38;
	[tilespmem:$0x4920] =	vst v63  }
0x1d: {  	s16 =	ssub.s32 s16, s17;
	_ =	swait.ge [sflag:s14], $0x1800  }
0x1e: {  	s16 =	smax.u32 s16, $0x1;
	[sflag:s14] =	ssyncset.done $0x0  }
0x1f: {  	p0 =	sne.s32 s16, $0x1;
	[sflag:s14] =	ssyncadd.s32 $0xFFFFE800  }
.Ltmp0:
0x20: {  	_ =	swait.ge [sflag:s14], $0x1800;
	(pc) =	sbr.rel @!p0 .LBB2_2-.Ltmp0, $4  }
0x21: {  	[sflag:s14] =	ssyncset.done $0x0  }
0x22: {  	[sflag:s14] =	ssyncadd.s32 $0xFFFFE800  }
0x23: {  	_ =	swait.ge [sflag:s14], $0x1800  }
0x24: {  	s16 =	sadd.s32 $0xFFFFFFFF, s16;
	[sflag:s14] =	ssyncset.done $0x0  }
.LBB2_1:
0x25: {  	p0 =	sne.s32 s16, $0x1;
	s16 =	sadd.s32 $0xFFFFFFFF, s16;
	[sflag:s14] =	ssyncadd.s32 $0xFFFFE800  }
0x26: {  	[tilespmem:s2], [sflag:$0x3] =	stream.linear.gather [hbm4b:s4+s2], $0x120, $0x38;
	[tilespmem:$0x4920] =	vst v63  }
0x27: {  	_ =	swait.ge [sflag:s5], $0x120  }
0x28: {  	[sflag:s5] =	ssyncset.done $0x0  }
0x29: {  	[sflag:s5] =	ssyncadd.s32 $0xFFFFFEE0  }
0x2a: {  	[tilespmem:s7], [sflag:$0x1] =	stream.indirect.gather [hbm4b:s3+s6], $0x40, s2, s6, $0xb8;
	[tilespmem:$0x4920] =	vst v63  }
0x2b: {  	_ = 	snop  }
0x2c: {  	[tilespmem:s9], [sflag:$0x1] =	stream.indirect.gather [hbm4b:s3+s6], $0x40, s6, s6, $0xb8;
	[tilespmem:$0x4920] =	vst v63  }
0x2d: {  	_ = 	snop  }
0x2e: {  	[tilespmem:s11], [sflag:$0x1] =	stream.indirect.gather [hbm4b:s3+s6], $0x40, s10, s6, $0xb8;
	[tilespmem:$0x4920] =	vst v63  }
0x2f: {  	_ =	swait.ge [sflag:s8], $0x1800  }
0x30: {  	[sflag:s8] =	ssyncset.done $0x0  }
0x31: {  	[sflag:s8] =	ssyncadd.s32 $0xFFFFE800  }
0x32: {  	[hbm4b:s12+s2] =	stream.linear.scatter [tilespmem:s7], [sflag:$0x2], $0x1800, $0x38;
	[tilespmem:$0x4920] =	vst v63  }
0x33: {  	_ =	swait.ge [sflag:s8], $0x1800  }
0x34: {  	[sflag:s8] =	ssyncset.done $0x0  }
0x35: {  	[sflag:s8] =	ssyncadd.s32 $0xFFFFE800  }
0x36: {  	[hbm4b:s13+s2] =	stream.linear.scatter [tilespmem:s9], [sflag:$0x2], $0x1800, $0x38;
	[tilespmem:$0x4920] =	vst v63  }
0x37: {  	_ =	swait.ge [sflag:s8], $0x1800  }
0x38: {  	[sflag:s8] =	ssyncset.done $0x0  }
0x39: {  	[sflag:s8] =	ssyncadd.s32 $0xFFFFE800  }
0x3a: {  	[hbm4b:s15+s2] =	stream.linear.scatter [tilespmem:s11], [sflag:$0x2], $0x1800, $0x38;
	[tilespmem:$0x4920] =	vst v63  }
0x3b: {  	_ =	swait.ge [sflag:s14], $0x1800  }
0x3c: {  	[sflag:s14] =	ssyncset.done $0x0  }
0x3d: {  	[sflag:s14] =	ssyncadd.s32 $0xFFFFE800  }
.Ltmp1:
0x3e: {  	_ =	swait.ge [sflag:s14], $0x1800;
	(pc) =	sbr.rel @p0 .LBB2_1-.Ltmp1, $4  }
0x3f: {  	[sflag:s14] =	ssyncset.done $0x0  }
0x40: {  	[sflag:s14] =	ssyncadd.s32 $0xFFFFE800  }
0x41: {  	_ =	swait.ge [sflag:s14], $0x1800  }
0x42: {  	[sflag:s14] =	ssyncset.done $0x0  }
.LBB2_2:
0x43: {  	[sflag:s14] =	ssyncadd.s32 $0xFFFFE800  }
0x44: {  	_ =	sfence.sel $0x180000  }
0x45: {  	[bflag:$0x0] =	sbarrier.arrive $0xFFFF  }
0x46: {  	p0 =	sne.s32 s0, $0x0;
	_ =	strace $0x90000047  }
0x47: {  	s0 =	sadd.s32 @!p0 $0x100000, s1;
	[bflag:$0x2] =	sbarrier.arrive $0xFFFF  }
0x48: {  	[sflag:s0] =	ssyncadd.tile.s32 @!p0 $0x1;
	_ =	shalt  }
.Lfunc_end2:
_tile_overlayer_lowered:
.L_overlay_start_2:
0x49: {  	(tag) =	ssettag $0x2  }
0x4a: {  	s0 =	rddreg [dreg:$0x0];
	s2 =	stileid.u32  }
0x4b: {  	s1 =	rddreg [dreg:$0x1];
	p0 =	sne.s32 s2, $0x0  }
0x4c: {  	s3 =	rddreg [dreg:$0x2];
	[bflag:$0x3] =	sbarrier.arrive $0xFFFF;
	s2 =	simm.s32 @!p0 $0x1C03  }
0x4d: {  	[timem:s3], [sflag:s2] =	dma.local @!p0 [hbm:s0], s1  }
0x4e: {  	s0 =	simm.s32 @!p0 $0x3  }
0x4f: {  	_ =	swait.ge @!p0 [sflag:s0], s1  }
0x50: {  	s1 =	ssub.s32 @!p0 $0x0, s1;
	[sflag:s0] =	ssyncset.done @!p0 $0x0  }
0x51: {  	[sflag:s0] =	ssyncadd.s32 @!p0 s1  }
0x52: {  	[bflag:$0x3] =	sbarrier.arrive $0xFFFF  }
0x53: {  	_ =	shalt  }

</sc_bundles>
